<compile_context>
chip_gen: v7x
topology: tpu7x:2x2x1
jax: 0.10.2.dev20260603
libtpu: 0.0.44.dev20260713+nightly
codegen_flags: <defaults>
</compile_context>

<pallas_src>
import functools
from math import factorial, sqrt

import numpy as np
import jax
import jax.numpy as jnp
from jax import lax
from jax.experimental import pallas as pl
from jax.experimental.pallas import tpu as pltpu
from jax.experimental.pallas import tpu_sc as plsc

_LS = (0, 1, 2)


def _cg_coef(l1, m1, l2, m2, l3, m3):
    if m1 + m2 != m3:
        return 0.0
    if l3 < abs(l1 - l2) or l3 > l1 + l2:
        return 0.0
    pref = sqrt((2 * l3 + 1) * factorial(l3 + l1 - l2) * factorial(l3 - l1 + l2)
                * factorial(l1 + l2 - l3) / factorial(l1 + l2 + l3 + 1))
    pref *= sqrt(factorial(l3 + m3) * factorial(l3 - m3) * factorial(l1 - m1)
                 * factorial(l1 + m1) * factorial(l2 - m2) * factorial(l2 + m2))
    s = 0.0
    for k in range(0, l1 + l2 - l3 + 1):
        d = [k, l1 + l2 - l3 - k, l1 - m1 - k, l2 + m2 - k,
             l3 - l2 + m1 + k, l3 - l1 - m2 + k]
        if any(v < 0 for v in d):
            continue
        den = 1.0
        for v in d:
            den *= factorial(v)
        s += (-1.0) ** k / den
    return pref * s


def _cg_terms():
    offsets = {}
    off = 0
    for l in _LS:
        offsets[l] = off
        off += 2 * l + 1
    terms = []
    offset3 = 0
    for l1 in _LS:
        for l2 in _LS:
            for l3 in range(abs(l1 - l2), l1 + l2 + 1):
                if l3 not in _LS or (l1 + l2 + l3) % 2 != 0:
                    continue
                cg = np.zeros((2 * l1 + 1, 2 * l2 + 1, 2 * l3 + 1), dtype=np.float64)
                for m1 in range(-l1, l1 + 1):
                    for m2 in range(-l2, l2 + 1):
                        m3 = m1 + m2
                        if abs(m3) <= l3:
                            cg[m1 + l1, m2 + l2, m3 + l3] = _cg_coef(l1, m1, l2, m2, l3, m3)
                a1, a2, a3 = np.nonzero(cg)
                vals = cg[a1, a2, a3]
                order = np.argsort(a3, kind='stable')
                for j1, j2, j3, v in zip(a1[order], a2[order], a3[order], vals[order]):
                    terms.append((int(j1) + offsets[l1], int(j2) + offsets[l2],
                                  int(j3) + offset3, float(np.float32(v))))
                offset3 += 2 * l3 + 1
    return terms, off, offset3


_TERMS, _DIN, _DOUT = _cg_terms()

_N = 1_600_000
_NC = 2
_NS = 16
_NW = _NC * _NS
_C = 640
_NCHUNKS = _N // _C
_G = _C // 16
_CQ, _CR = divmod(_NCHUNKS, _NW)


def _factor_terms():
    factored = []
    for j in range(_DOUT):
        groups = []
        for (i1, i2, i3, c) in _TERMS:
            if i3 != j:
                continue
            a, sgn = abs(c), (1 if c > 0 else -1)
            for g in groups:
                if g[0] == a:
                    g[1].append((i1, i2, sgn))
                    break
            else:
                groups.append((a, [(i1, i2, sgn)]))
        factored.append(groups)
    return factored


_FACTORED = _factor_terms()


def _group_compute(xb, yb, ob, s):
    xs = [xb[i, pl.ds(s, 16)] for i in range(_DIN)]
    ys = [yb[i, pl.ds(s, 16)] for i in range(_DIN)]
    prods = {}
    for j in range(_DOUT):
        acc = None
        for (a, members) in _FACTORED[j]:
            flip = members[0][2] < 0
            ssum = None
            for (i1, i2, sgn) in members:
                p = prods.get((i1, i2))
                if p is None:
                    p = xs[i1] * ys[i2]
                    prods[(i1, i2)] = p
                if flip:
                    sgn = -sgn
                if ssum is None:
                    ssum = p
                elif sgn > 0:
                    ssum = ssum + p
                else:
                    ssum = ssum - p
            if a == 1.0:
                t, tneg = ssum, flip
            else:
                t, tneg = ssum * (-a if flip else a), False
            if acc is None:
                acc = -t if tneg else t
            elif tneg:
                acc = acc - t
            else:
                acc = acc + t
        ob[j, pl.ds(s, 16)] = acc


_NPAIR = (_CQ + 2) // 2


def _tp_body(xt, yt, ot, xb0, xb1, yb0, yb1, ob0, ob1,
             sx0, sx1, sy0, sy1, so0, so1):
    wid = lax.axis_index("s") * _NC + lax.axis_index("c")
    c0 = wid * _CQ + lax.min(wid, _CR)
    c1 = c0 + _CQ + jnp.where(wid < _CR, 1, 0)

    xbs, ybs, obs = (xb0, xb1), (yb0, yb1), (ob0, ob1)
    sxs, sys, sos = (sx0, sx1), (sy0, sy1), (so0, so1)

    def start_in(ci, b):
        e0 = ci * _C
        pltpu.async_copy(xt.at[:, pl.ds(e0, _C)], xbs[b], sxs[b])
        pltpu.async_copy(yt.at[:, pl.ds(e0, _C)], ybs[b], sys[b])

    def wait_in(b):
        pltpu.make_async_copy(xt.at[:, pl.ds(0, _C)], xbs[b], sxs[b]).wait()
        pltpu.make_async_copy(yt.at[:, pl.ds(0, _C)], ybs[b], sys[b]).wait()

    def start_out(ci, b):
        pltpu.async_copy(obs[b], ot.at[:, pl.ds(ci * _C, _C)], sos[b])

    def wait_out(b):
        pltpu.make_async_copy(obs[b], ot.at[:, pl.ds(0, _C)], sos[b]).wait()

    def compute(b):
        def group(g, carry2):
            _group_compute(xbs[b], ybs[b], obs[b], g * 16)
            return carry2
        lax.fori_loop(0, _G, group, 0)

    start_in(c0, 0)

    def pair(p, carry):
        ci0 = c0 + 2 * p
        ci1 = ci0 + 1

        @pl.when(ci0 < c1)
        def _():
            @pl.when(ci1 < c1)
            def _():
                start_in(ci1, 1)
            wait_in(0)

            @pl.when(p > 0)
            def _():
                wait_out(0)
            compute(0)
            start_out(ci0, 0)

        @pl.when(ci0 + 2 < c1)
        def _():
            start_in(ci0 + 2, 0)

        @pl.when(ci1 < c1)
        def _():
            wait_in(1)

            @pl.when(p > 0)
            def _():
                wait_out(1)
            compute(1)
            start_out(ci1, 1)

        return carry

    lax.fori_loop(0, _NPAIR, pair, 0)
    wait_out(0)
    wait_out(1)


@functools.cache
def _tp_sc():
    return pl.kernel(
        _tp_body,
        out_type=jax.ShapeDtypeStruct((_DOUT, _N), jnp.float32),
        mesh=plsc.VectorSubcoreMesh(core_axis_name="c", subcore_axis_name="s",
                                    num_cores=_NC, num_subcores=_NS),
        scratch_types=(
            [pltpu.VMEM((_DIN, _C), jnp.float32)] * 2
            + [pltpu.VMEM((_DIN, _C), jnp.float32)] * 2
            + [pltpu.VMEM((_DOUT, _C), jnp.float32)] * 2
            + [pltpu.SemaphoreType.DMA] * 6
        ),
        compiler_params=pltpu.CompilerParams(needs_layout_passes=False,
                                             use_tc_tiling_on_sc=True),
    )


def kernel(x, y, mu_1, mu_2, mu_3, cg_coeffs):
    del mu_1, mu_2, mu_3, cg_coeffs
    return _tp_sc()(x.T, y.T).T

# --- scband reference (transcript-rebuilt; emitter-appended) ---
"""Pipeline reference for scband-tensor-product-cuda-65807488909771 (READ-ONLY COPY).

The authoritative reference and input builder live on the scoring server;
editing this copy changes nothing except your own understanding.
"""

import jax, jax.numpy as jnp
import numpy as np
from math import factorial, sqrt

LS = [0, 1, 2]


def _cg(l1, m1, l2, m2, l3, m3):
    if m1 + m2 != m3:
        return 0.0
    if l3 < abs(l1 - l2) or l3 > l1 + l2:
        return 0.0
    pref = sqrt((2 * l3 + 1) * factorial(l3 + l1 - l2) * factorial(l3 - l1 + l2) * factorial(l1 + l2 - l3) / factorial(l1 + l2 + l3 + 1))
    pref *= sqrt(factorial(l3 + m3) * factorial(l3 - m3) * factorial(l1 - m1) * factorial(l1 + m1) * factorial(l2 - m2) * factorial(l2 + m2))
    s = 0.0
    for k in range(0, l1 + l2 - l3 + 1):
        d = [k, l1 + l2 - l3 - k, l1 - m1 - k, l2 + m2 - k, l3 - l2 + m1 + k, l3 - l1 - m2 + k]
        if any(v < 0 for v in d):
            continue
        den = 1.0
        for v in d:
            den *= factorial(v)
        s += (-1.0) ** k / den
    return pref * s


def _build():
    offsets = {}
    off = 0
    for l in LS:
        offsets[l] = off
        off += 2 * l + 1
    mu1_all, mu2_all, mu3_all, cg_all = [], [], [], []
    offset3 = 0
    for l1 in LS:
        for l2 in LS:
            for l3 in range(abs(l1 - l2), l1 + l2 + 1):
                if l3 not in LS or (l1 + l2 + l3) % 2 != 0:
                    continue
                cg = np.zeros((2 * l1 + 1, 2 * l2 + 1, 2 * l3 + 1), dtype=np.float64)
                for m1 in range(-l1, l1 + 1):
                    for m2 in range(-l2, l2 + 1):
                        m3 = m1 + m2
                        if abs(m3) <= l3:
                            cg[m1 + l1, m2 + l2, m3 + l3] = _cg(l1, m1, l2, m2, l3, m3)
                mu1, mu2, mu3 = np.nonzero(cg)
                vals = cg[mu1, mu2, mu3]
                order = np.argsort(mu3, kind='stable')
                mu1, mu2, mu3, vals = mu1[order], mu2[order], mu3[order], vals[order]
                mu1_all.append(mu1 + offsets[l1])
                mu2_all.append(mu2 + offsets[l2])
                mu3_all.append(mu3 + offset3)
                cg_all.append(vals)
                offset3 += 2 * l3 + 1
    return (np.concatenate(mu1_all).astype(np.int32),
            np.concatenate(mu2_all).astype(np.int32),
            np.concatenate(mu3_all).astype(np.int32),
            np.concatenate(cg_all).astype(np.float32),
            offset3)


MU1, MU2, MU3, CG, DIM_OUT = _build()
DIM_IN = sum(2 * l + 1 for l in LS)
N_EDGES = 1600000


def setup_inputs(seed: int = 0):
    key = jax.random.key(seed)
    k1, k2 = jax.random.split(key)
    x = jax.random.normal(k1, (N_EDGES, DIM_IN), dtype=jnp.float32)
    y = jax.random.normal(k2, (N_EDGES, DIM_IN), dtype=jnp.float32)
    return {
        'x': x,
        'y': y,
        'mu_1': jnp.asarray(MU1),
        'mu_2': jnp.asarray(MU2),
        'mu_3': jnp.asarray(MU3),
        'cg_coeffs': jnp.asarray(CG),
    }


def reference(x, y, mu_1, mu_2, mu_3, cg_coeffs):
    # out[n, mu_3[k]] += cg[k] * x[n, mu_1[k]] * y[n, mu_2[k]]
    # (gather along feature dim -> multiply -> scatter-add), chunked over rows
    N = x.shape[0]
    chunk = 200000
    outs = []
    for s in range(0, N, chunk):
        xe = x[s:s + chunk]
        ye = y[s:s + chunk]
        prod = xe[:, mu_1] * ye[:, mu_2] * cg_coeffs[None, :]
        o = jnp.zeros((xe.shape[0], DIM_OUT), dtype=x.dtype).at[:, mu_3].add(prod)
        outs.append(o)
    return jnp.concatenate(outs, axis=0)

if __name__ == "__main__":
    import jax
    _d = setup_inputs()
    print(jax.jit(kernel)(*tuple(_d.values())))

</pallas_src>

<mosaic_0001>
#map = affine_map<(d0, d1) -> (0, 0)>
module attributes {stable_mosaic.version = 14 : i64} {
  func.func @_tp_body(%arg0: i32, %arg1: i32, %arg2: memref<9x1600000xf32, #tpu.memory_space<hbm>>, %arg3: memref<9x1600000xf32, #tpu.memory_space<hbm>>, %arg4: memref<35x1600000xf32, #tpu.memory_space<hbm>>, %arg5: memref<9x640xf32, #tpu.memory_space<vmem>>, %arg6: memref<9x640xf32, #tpu.memory_space<vmem>>, %arg7: memref<9x640xf32, #tpu.memory_space<vmem>>, %arg8: memref<9x640xf32, #tpu.memory_space<vmem>>, %arg9: memref<35x640xf32, #tpu.memory_space<vmem>>, %arg10: memref<35x640xf32, #tpu.memory_space<vmem>>, %arg11: memref<!tpu.dma_semaphore, #tpu.memory_space<semaphore_mem>>, %arg12: memref<!tpu.dma_semaphore, #tpu.memory_space<semaphore_mem>>, %arg13: memref<!tpu.dma_semaphore, #tpu.memory_space<semaphore_mem>>, %arg14: memref<!tpu.dma_semaphore, #tpu.memory_space<semaphore_mem>>, %arg15: memref<!tpu.dma_semaphore, #tpu.memory_space<semaphore_mem>>, %arg16: memref<!tpu.dma_semaphore, #tpu.memory_space<semaphore_mem>>) attributes {dimension_semantics = [#tpu.dimension_semantics<core_parallel>, #tpu.dimension_semantics<subcore_parallel>], iteration_bounds = array<i64: 2, 16>, scalar_prefetch = 0 : i64, scratch_operands = 12 : i64, tpu.core_type = #tpu.core_type<sc_vector_subcore>, window_params = [{transform_indices = #map}, {transform_indices = #map}, {transform_indices = #map}]} {
    %mul3A = arith.constant 2 : i32
    %mul3A_0 = arith.muli %arg1, %mul3A : i32
    %add3A = arith.addi %mul3A_0, %arg0 : i32
    %mul3A_1 = arith.constant 78 : i32
    %mul3A_2 = arith.muli %add3A, %mul3A_1 : i32
    %min3A = arith.constant 4 : i32
    %min3A_3 = arith.minsi %add3A, %min3A : i32
    %add3A_4 = arith.addi %mul3A_2, %min3A_3 : i32
    %add3A_5 = arith.constant 78 : i32
    %add3A_6 = arith.addi %add3A_4, %add3A_5 : i32
    %lt3A = arith.constant 4 : i32
    %lt3A_7 = arith.cmpi slt, %add3A, %lt3A : i32
    %jit3A = arith.constant 1 : i32
    %jit3A_8 = arith.constant 0 : i32
    %select_n3A = arith.select %lt3A_7, %jit3A, %jit3A_8 : i32
    %add3A_9 = arith.addi %add3A_6, %select_n3A : i32
    %mul3A_10 = arith.constant 640 : i32
    %mul3A_11 = arith.muli %add3A_4, %mul3A_10 : i32
    %dma_start3A = arith.constant 0 : i32
    %dma_start3A_12 = tpu.memref_slice %arg2[%dma_start3A, %mul3A_11] : memref<9x1600000xf32, #tpu.memory_space<hbm>> -> memref<9x640xf32, #tpu.memory_space<hbm>>
    %dma_start3A_13 = arith.constant 0 : i32
    %dma_start3A_14 = tpu.memref_slice %arg2[%dma_start3A_13, %mul3A_11] : memref<9x1600000xf32, #tpu.memory_space<hbm>> -> memref<9x640xf32, #tpu.memory_space<hbm>>
    tpu.enqueue_dma source(%dma_start3A_14 : memref<9x640xf32, #tpu.memory_space<hbm>>) target(%arg5 : memref<9x640xf32, #tpu.memory_space<vmem>>) target_semaphore(%arg11 : memref<!tpu.dma_semaphore, #tpu.memory_space<semaphore_mem>>)
    %dma_start3A_15 = arith.constant 0 : i32
    %dma_start3A_16 = tpu.memref_slice %arg3[%dma_start3A_15, %mul3A_11] : memref<9x1600000xf32, #tpu.memory_space<hbm>> -> memref<9x640xf32, #tpu.memory_space<hbm>>
    %dma_start3A_17 = arith.constant 0 : i32
    %dma_start3A_18 = tpu.memref_slice %arg3[%dma_start3A_17, %mul3A_11] : memref<9x1600000xf32, #tpu.memory_space<hbm>> -> memref<9x640xf32, #tpu.memory_space<hbm>>
    tpu.enqueue_dma source(%dma_start3A_18 : memref<9x640xf32, #tpu.memory_space<hbm>>) target(%arg7 : memref<9x640xf32, #tpu.memory_space<vmem>>) target_semaphore(%arg13 : memref<!tpu.dma_semaphore, #tpu.memory_space<semaphore_mem>>)
    %scan3A = arith.constant 0 : i32
    %scan3A_19 = arith.constant 0 : i32
    %scan3A_20 = arith.constant 40 : i32
    %scan3A_21 = arith.addi %scan3A_19, %scan3A_20 : i32
    %scan3A_22 = arith.constant 1 : i32
    scf.for %scan3A_35 = %scan3A_19 to %scan3A_21 step %scan3A_22  : i32 {
      %mul3A_36 = arith.constant 2 : i32
      %mul3A_37 = arith.muli %mul3A_36, %scan3A_35 : i32
      %add3A_38 = arith.addi %add3A_4, %mul3A_37 : i32
      %add3A_39 = arith.constant 1 : i32
      %add3A_40 = arith.addi %add3A_38, %add3A_39 : i32
      %lt3A_41 = arith.cmpi slt, %add3A_38, %add3A_9 : i32
      %convert_element_type3A = arith.extui %lt3A_41 : i1 to i32
      %cond3A = arith.constant 0 : i32
      %cond3A_42 = arith.cmpi ne, %convert_element_type3A, %cond3A : i32
      scf.if %cond3A_42 {
        %lt3A_53 = arith.cmpi slt, %add3A_40, %add3A_9 : i32
        %convert_element_type3A_54 = arith.extui %lt3A_53 : i1 to i32
        %cond3A_55 = arith.constant 0 : i32
        %cond3A_56 = arith.cmpi ne, %convert_element_type3A_54, %cond3A_55 : i32
        scf.if %cond3A_56 {
          %mul3A_85 = arith.constant 640 : i32
          %mul3A_86 = arith.muli %add3A_40, %mul3A_85 : i32
          %dma_start3A_87 = arith.constant 0 : i32
          %dma_start3A_88 = tpu.memref_slice %arg2[%dma_start3A_87, %mul3A_86] : memref<9x1600000xf32, #tpu.memory_space<hbm>> -> memref<9x640xf32, #tpu.memory_space<hbm>>
          %dma_start3A_89 = arith.constant 0 : i32
          %dma_start3A_90 = tpu.memref_slice %arg2[%dma_start3A_89, %mul3A_86] : memref<9x1600000xf32, #tpu.memory_space<hbm>> -> memref<9x640xf32, #tpu.memory_space<hbm>>
          tpu.enqueue_dma source(%dma_start3A_90 : memref<9x640xf32, #tpu.memory_space<hbm>>) target(%arg6 : memref<9x640xf32, #tpu.memory_space<vmem>>) target_semaphore(%arg12 : memref<!tpu.dma_semaphore, #tpu.memory_space<semaphore_mem>>)
          %dma_start3A_91 = arith.constant 0 : i32
          %dma_start3A_92 = tpu.memref_slice %arg3[%dma_start3A_91, %mul3A_86] : memref<9x1600000xf32, #tpu.memory_space<hbm>> -> memref<9x640xf32, #tpu.memory_space<hbm>>
          %dma_start3A_93 = arith.constant 0 : i32
          %dma_start3A_94 = tpu.memref_slice %arg3[%dma_start3A_93, %mul3A_86] : memref<9x1600000xf32, #tpu.memory_space<hbm>> -> memref<9x640xf32, #tpu.memory_space<hbm>>
          tpu.enqueue_dma source(%dma_start3A_94 : memref<9x640xf32, #tpu.memory_space<hbm>>) target(%arg8 : memref<9x640xf32, #tpu.memory_space<vmem>>) target_semaphore(%arg14 : memref<!tpu.dma_semaphore, #tpu.memory_space<semaphore_mem>>)
        } else {
        }
        %dma_wait3A_57 = arith.constant 0 : i32
        %dma_wait3A_58 = arith.constant 0 : i32
        %dma_wait3A_59 = tpu.memref_slice %arg2[%dma_wait3A_57, %dma_wait3A_58] : memref<9x1600000xf32, #tpu.memory_space<hbm>> -> memref<9x640xf32, #tpu.memory_space<hbm>>
        %dma_wait3A_60 = arith.constant 0 : i32
        %dma_wait3A_61 = arith.constant 0 : i32
        %dma_wait3A_62 = tpu.memref_slice %arg2[%dma_wait3A_60, %dma_wait3A_61] : memref<9x1600000xf32, #tpu.memory_space<hbm>> -> memref<9x640xf32, #tpu.memory_space<hbm>>
        tpu.wait_dma2 semaphore(%arg11 : memref<!tpu.dma_semaphore, #tpu.memory_space<semaphore_mem>>) src(%dma_wait3A_62 : memref<9x640xf32, #tpu.memory_space<hbm>>) dst(%arg5 : memref<9x640xf32, #tpu.memory_space<vmem>>)
        %dma_wait3A_63 = arith.constant 0 : i32
        %dma_wait3A_64 = arith.constant 0 : i32
        %dma_wait3A_65 = tpu.memref_slice %arg3[%dma_wait3A_63, %dma_wait3A_64] : memref<9x1600000xf32, #tpu.memory_space<hbm>> -> memref<9x640xf32, #tpu.memory_space<hbm>>
        %dma_wait3A_66 = arith.constant 0 : i32
        %dma_wait3A_67 = arith.constant 0 : i32
        %dma_wait3A_68 = tpu.memref_slice %arg3[%dma_wait3A_66, %dma_wait3A_67] : memref<9x1600000xf32, #tpu.memory_space<hbm>> -> memref<9x640xf32, #tpu.memory_space<hbm>>
        tpu.wait_dma2 semaphore(%arg13 : memref<!tpu.dma_semaphore, #tpu.memory_space<semaphore_mem>>) src(%dma_wait3A_68 : memref<9x640xf32, #tpu.memory_space<hbm>>) dst(%arg7 : memref<9x640xf32, #tpu.memory_space<vmem>>)
        %gt3A = arith.constant 0 : i32
        %gt3A_69 = arith.cmpi sgt, %scan3A_35, %gt3A : i32
        %convert_element_type3A_70 = arith.extui %gt3A_69 : i1 to i32
        %cond3A_71 = arith.constant 0 : i32
        %cond3A_72 = arith.cmpi ne, %convert_element_type3A_70, %cond3A_71 : i32
        scf.if %cond3A_72 {
          %dma_wait3A_85 = arith.constant 0 : i32
          %dma_wait3A_86 = arith.constant 0 : i32
          %dma_wait3A_87 = tpu.memref_slice %arg4[%dma_wait3A_85, %dma_wait3A_86] : memref<35x1600000xf32, #tpu.memory_space<hbm>> -> memref<35x640xf32, #tpu.memory_space<hbm>>
          %dma_wait3A_88 = arith.constant 0 : i32
          %dma_wait3A_89 = arith.constant 0 : i32
          %dma_wait3A_90 = tpu.memref_slice %arg4[%dma_wait3A_88, %dma_wait3A_89] : memref<35x1600000xf32, #tpu.memory_space<hbm>> -> memref<35x640xf32, #tpu.memory_space<hbm>>
          tpu.wait_dma2 semaphore(%arg15 : memref<!tpu.dma_semaphore, #tpu.memory_space<semaphore_mem>>) src(%arg9 : memref<35x640xf32, #tpu.memory_space<vmem>>) dst(%dma_wait3A_90 : memref<35x640xf32, #tpu.memory_space<hbm>>)
        } else {
        }
        %scan3A_73 = arith.constant 0 : i32
        %scan3A_74 = arith.constant 0 : i32
        %scan3A_75 = arith.constant 40 : i32
        %scan3A_76 = arith.addi %scan3A_74, %scan3A_75 : i32
        %scan3A_77 = arith.constant 1 : i32
        scf.for %scan3A_85 = %scan3A_74 to %scan3A_76 step %scan3A_77  : i32 {
          %mul3A_86 = arith.constant 16 : i32
          %mul3A_87 = arith.muli %scan3A_85, %mul3A_86 : i32
          %get3A = arith.constant 0 : i32
          %get3A_88 = arith.index_cast %get3A : i32 to index
          %get3A_89 = arith.index_cast %mul3A_87 : i32 to index
          %get3A_90 = tpu.vector_load %arg5[%get3A_88, %get3A_89] {strides = array<i32>} : memref<9x640xf32, #tpu.memory_space<vmem>>, vector<16xf32>,
          %get3A_91 = arith.constant 1 : i32
          %get3A_92 = arith.index_cast %get3A_91 : i32 to index
          %get3A_93 = arith.index_cast %mul3A_87 : i32 to index
          %get3A_94 = tpu.vector_load %arg5[%get3A_92, %get3A_93] {strides = array<i32>} : memref<9x640xf32, #tpu.memory_space<vmem>>, vector<16xf32>,
          %get3A_95 = arith.constant 2 : i32
          %get3A_96 = arith.index_cast %get3A_95 : i32 to index
          %get3A_97 = arith.index_cast %mul3A_87 : i32 to index
          %get3A_98 = tpu.vector_load %arg5[%get3A_96, %get3A_97] {strides = array<i32>} : memref<9x640xf32, #tpu.memory_space<vmem>>, vector<16xf32>,
          %get3A_99 = arith.constant 3 : i32
          %get3A_100 = arith.index_cast %get3A_99 : i32 to index
          %get3A_101 = arith.index_cast %mul3A_87 : i32 to index
          %get3A_102 = tpu.vector_load %arg5[%get3A_100, %get3A_101] {strides = array<i32>} : memref<9x640xf32, #tpu.memory_space<vmem>>, vector<16xf32>,
          %get3A_103 = arith.constant 4 : i32
          %get3A_104 = arith.index_cast %get3A_103 : i32 to index
          %get3A_105 = arith.index_cast %mul3A_87 : i32 to index
          %get3A_106 = tpu.vector_load %arg5[%get3A_104, %get3A_105] {strides = array<i32>} : memref<9x640xf32, #tpu.memory_space<vmem>>, vector<16xf32>,
          %get3A_107 = arith.constant 5 : i32
          %get3A_108 = arith.index_cast %get3A_107 : i32 to index
          %get3A_109 = arith.index_cast %mul3A_87 : i32 to index
          %get3A_110 = tpu.vector_load %arg5[%get3A_108, %get3A_109] {strides = array<i32>} : memref<9x640xf32, #tpu.memory_space<vmem>>, vector<16xf32>,
          %get3A_111 = arith.constant 6 : i32
          %get3A_112 = arith.index_cast %get3A_111 : i32 to index
          %get3A_113 = arith.index_cast %mul3A_87 : i32 to index
          %get3A_114 = tpu.vector_load %arg5[%get3A_112, %get3A_113] {strides = array<i32>} : memref<9x640xf32, #tpu.memory_space<vmem>>, vector<16xf32>,
          %get3A_115 = arith.constant 7 : i32
          %get3A_116 = arith.index_cast %get3A_115 : i32 to index
          %get3A_117 = arith.index_cast %mul3A_87 : i32 to index
          %get3A_118 = tpu.vector_load %arg5[%get3A_116, %get3A_117] {strides = array<i32>} : memref<9x640xf32, #tpu.memory_space<vmem>>, vector<16xf32>,
          %get3A_119 = arith.constant 8 : i32
          %get3A_120 = arith.index_cast %get3A_119 : i32 to index
          %get3A_121 = arith.index_cast %mul3A_87 : i32 to index
          %get3A_122 = tpu.vector_load %arg5[%get3A_120, %get3A_121] {strides = array<i32>} : memref<9x640xf32, #tpu.memory_space<vmem>>, vector<16xf32>,
          %get3A_123 = arith.constant 0 : i32
          %get3A_124 = arith.index_cast %get3A_123 : i32 to index
          %get3A_125 = arith.index_cast %mul3A_87 : i32 to index
          %get3A_126 = tpu.vector_load %arg7[%get3A_124, %get3A_125] {strides = array<i32>} : memref<9x640xf32, #tpu.memory_space<vmem>>, vector<16xf32>,
          %get3A_127 = arith.constant 1 : i32
          %get3A_128 = arith.index_cast %get3A_127 : i32 to index
          %get3A_129 = arith.index_cast %mul3A_87 : i32 to index
          %get3A_130 = tpu.vector_load %arg7[%get3A_128, %get3A_129] {strides = array<i32>} : memref<9x640xf32, #tpu.memory_space<vmem>>, vector<16xf32>,
          %get3A_131 = arith.constant 2 : i32
          %get3A_132 = arith.index_cast %get3A_131 : i32 to index
          %get3A_133 = arith.index_cast %mul3A_87 : i32 to index
          %get3A_134 = tpu.vector_load %arg7[%get3A_132, %get3A_133] {strides = array<i32>} : memref<9x640xf32, #tpu.memory_space<vmem>>, vector<16xf32>,
          %get3A_135 = arith.constant 3 : i32
          %get3A_136 = arith.index_cast %get3A_135 : i32 to index
          %get3A_137 = arith.index_cast %mul3A_87 : i32 to index
          %get3A_138 = tpu.vector_load %arg7[%get3A_136, %get3A_137] {strides = array<i32>} : memref<9x640xf32, #tpu.memory_space<vmem>>, vector<16xf32>,
          %get3A_139 = arith.constant 4 : i32
          %get3A_140 = arith.index_cast %get3A_139 : i32 to index
          %get3A_141 = arith.index_cast %mul3A_87 : i32 to index
          %get3A_142 = tpu.vector_load %arg7[%get3A_140, %get3A_141] {strides = array<i32>} : memref<9x640xf32, #tpu.memory_space<vmem>>, vector<16xf32>,
          %get3A_143 = arith.constant 5 : i32
          %get3A_144 = arith.index_cast %get3A_143 : i32 to index
          %get3A_145 = arith.index_cast %mul3A_87 : i32 to index
          %get3A_146 = tpu.vector_load %arg7[%get3A_144, %get3A_145] {strides = array<i32>} : memref<9x640xf32, #tpu.memory_space<vmem>>, vector<16xf32>,
          %get3A_147 = arith.constant 6 : i32
          %get3A_148 = arith.index_cast %get3A_147 : i32 to index
          %get3A_149 = arith.index_cast %mul3A_87 : i32 to index
          %get3A_150 = tpu.vector_load %arg7[%get3A_148, %get3A_149] {strides = array<i32>} : memref<9x640xf32, #tpu.memory_space<vmem>>, vector<16xf32>,
          %get3A_151 = arith.constant 7 : i32
          %get3A_152 = arith.index_cast %get3A_151 : i32 to index
          %get3A_153 = arith.index_cast %mul3A_87 : i32 to index
          %get3A_154 = tpu.vector_load %arg7[%get3A_152, %get3A_153] {strides = array<i32>} : memref<9x640xf32, #tpu.memory_space<vmem>>, vector<16xf32>,
          %get3A_155 = arith.constant 8 : i32
          %get3A_156 = arith.index_cast %get3A_155 : i32 to index
          %get3A_157 = arith.index_cast %mul3A_87 : i32 to index
          %get3A_158 = tpu.vector_load %arg7[%get3A_156, %get3A_157] {strides = array<i32>} : memref<9x640xf32, #tpu.memory_space<vmem>>, vector<16xf32>,
          %mul3A_159 = arith.mulf %get3A_90, %get3A_126 : vector<16xf32>
          %swap3A = arith.constant 0 : i32
          %swap3A_160 = arith.index_cast %swap3A : i32 to index
          %swap3A_161 = arith.index_cast %mul3A_87 : i32 to index
          %swap3A_162 = tpu.vector_load %arg9[%swap3A_160, %swap3A_161] {strides = array<i32>} : memref<35x640xf32, #tpu.memory_space<vmem>>, vector<16xf32>,
          tpu.vector_store %arg9[%swap3A_160, %swap3A_161], %mul3A_159 {strides = array<i32>} : memref<35x640xf32, #tpu.memory_space<vmem>>, vector<16xf32>,
          %mul3A_163 = arith.mulf %get3A_90, %get3A_130 : vector<16xf32>
          %swap3A_164 = arith.constant 1 : i32
          %swap3A_165 = arith.index_cast %swap3A_164 : i32 to index
          %swap3A_166 = arith.index_cast %mul3A_87 : i32 to index
          %swap3A_167 = tpu.vector_load %arg9[%swap3A_165, %swap3A_166] {strides = array<i32>} : memref<35x640xf32, #tpu.memory_space<vmem>>, vector<16xf32>,
          tpu.vector_store %arg9[%swap3A_165, %swap3A_166], %mul3A_163 {strides = array<i32>} : memref<35x640xf32, #tpu.memory_space<vmem>>, vector<16xf32>,
          %mul3A_168 = arith.mulf %get3A_90, %get3A_134 : vector<16xf32>
          %swap3A_169 = arith.constant 2 : i32
          %swap3A_170 = arith.index_cast %swap3A_169 : i32 to index
          %swap3A_171 = arith.index_cast %mul3A_87 : i32 to index
          %swap3A_172 = tpu.vector_load %arg9[%swap3A_170, %swap3A_171] {strides = array<i32>} : memref<35x640xf32, #tpu.memory_space<vmem>>, vector<16xf32>,
          tpu.vector_store %arg9[%swap3A_170, %swap3A_171], %mul3A_168 {strides = array<i32>} : memref<35x640xf32, #tpu.memory_space<vmem>>, vector<16xf32>,
          %mul3A_173 = arith.mulf %get3A_90, %get3A_138 : vector<16xf32>
          %swap3A_174 = arith.constant 3 : i32
          %swap3A_175 = arith.index_cast %swap3A_174 : i32 to index
          %swap3A_176 = arith.index_cast %mul3A_87 : i32 to index
          %swap3A_177 = tpu.vector_load %arg9[%swap3A_175, %swap3A_176] {strides = array<i32>} : memref<35x640xf32, #tpu.memory_space<vmem>>, vector<16xf32>,
          tpu.vector_store %arg9[%swap3A_175, %swap3A_176], %mul3A_173 {strides = array<i32>} : memref<35x640xf32, #tpu.memory_space<vmem>>, vector<16xf32>,
          %mul3A_178 = arith.mulf %get3A_90, %get3A_142 : vector<16xf32>
          %swap3A_179 = arith.constant 4 : i32
          %swap3A_180 = arith.index_cast %swap3A_179 : i32 to index
          %swap3A_181 = arith.index_cast %mul3A_87 : i32 to index
          %swap3A_182 = tpu.vector_load %arg9[%swap3A_180, %swap3A_181] {strides = array<i32>} : memref<35x640xf32, #tpu.memory_space<vmem>>, vector<16xf32>,
          tpu.vector_store %arg9[%swap3A_180, %swap3A_181], %mul3A_178 {strides = array<i32>} : memref<35x640xf32, #tpu.memory_space<vmem>>, vector<16xf32>,
          %mul3A_183 = arith.mulf %get3A_90, %get3A_146 : vector<16xf32>
          %swap3A_184 = arith.constant 5 : i32
          %swap3A_185 = arith.index_cast %swap3A_184 : i32 to index
          %swap3A_186 = arith.index_cast %mul3A_87 : i32 to index
          %swap3A_187 = tpu.vector_load %arg9[%swap3A_185, %swap3A_186] {strides = array<i32>} : memref<35x640xf32, #tpu.memory_space<vmem>>, vector<16xf32>,
          tpu.vector_store %arg9[%swap3A_185, %swap3A_186], %mul3A_183 {strides = array<i32>} : memref<35x640xf32, #tpu.memory_space<vmem>>, vector<16xf32>,
          %mul3A_188 = arith.mulf %get3A_90, %get3A_150 : vector<16xf32>
          %swap3A_189 = arith.constant 6 : i32
          %swap3A_190 = arith.index_cast %swap3A_189 : i32 to index
          %swap3A_191 = arith.index_cast %mul3A_87 : i32 to index
          %swap3A_192 = tpu.vector_load %arg9[%swap3A_190, %swap3A_191] {strides = array<i32>} : memref<35x640xf32, #tpu.memory_space<vmem>>, vector<16xf32>,
          tpu.vector_store %arg9[%swap3A_190, %swap3A_191], %mul3A_188 {strides = array<i32>} : memref<35x640xf32, #tpu.memory_space<vmem>>, vector<16xf32>,
          %mul3A_193 = arith.mulf %get3A_90, %get3A_154 : vector<16xf32>
          %swap3A_194 = arith.constant 7 : i32
          %swap3A_195 = arith.index_cast %swap3A_194 : i32 to index
          %swap3A_196 = arith.index_cast %mul3A_87 : i32 to index
          %swap3A_197 = tpu.vector_load %arg9[%swap3A_195, %swap3A_196] {strides = array<i32>} : memref<35x640xf32, #tpu.memory_space<vmem>>, vector<16xf32>,
          tpu.vector_store %arg9[%swap3A_195, %swap3A_196], %mul3A_193 {strides = array<i32>} : memref<35x640xf32, #tpu.memory_space<vmem>>, vector<16xf32>,
          %mul3A_198 = arith.mulf %get3A_90, %get3A_158 : vector<16xf32>
          %swap3A_199 = arith.constant 8 : i32
          %swap3A_200 = arith.index_cast %swap3A_199 : i32 to index
          %swap3A_201 = arith.index_cast %mul3A_87 : i32 to index
          %swap3A_202 = tpu.vector_load %arg9[%swap3A_200, %swap3A_201] {strides = array<i32>} : memref<35x640xf32, #tpu.memory_space<vmem>>, vector<16xf32>,
          tpu.vector_store %arg9[%swap3A_200, %swap3A_201], %mul3A_198 {strides = array<i32>} : memref<35x640xf32, #tpu.memory_space<vmem>>, vector<16xf32>,
          %mul3A_203 = arith.mulf %get3A_94, %get3A_126 : vector<16xf32>
          %swap3A_204 = arith.constant 9 : i32
          %swap3A_205 = arith.index_cast %swap3A_204 : i32 to index
          %swap3A_206 = arith.index_cast %mul3A_87 : i32 to index
          %swap3A_207 = tpu.vector_load %arg9[%swap3A_205, %swap3A_206] {strides = array<i32>} : memref<35x640xf32, #tpu.memory_space<vmem>>, vector<16xf32>,
          tpu.vector_store %arg9[%swap3A_205, %swap3A_206], %mul3A_203 {strides = array<i32>} : memref<35x640xf32, #tpu.memory_space<vmem>>, vector<16xf32>,
          %mul3A_208 = arith.mulf %get3A_98, %get3A_126 : vector<16xf32>
          %swap3A_209 = arith.constant 10 : i32
          %swap3A_210 = arith.index_cast %swap3A_209 : i32 to index
          %swap3A_211 = arith.index_cast %mul3A_87 : i32 to index
          %swap3A_212 = tpu.vector_load %arg9[%swap3A_210, %swap3A_211] {strides = array<i32>} : memref<35x640xf32, #tpu.memory_space<vmem>>, vector<16xf32>,
          tpu.vector_store %arg9[%swap3A_210, %swap3A_211], %mul3A_208 {strides = array<i32>} : memref<35x640xf32, #tpu.memory_space<vmem>>, vector<16xf32>,
          %mul3A_213 = arith.mulf %get3A_102, %get3A_126 : vector<16xf32>
          %swap3A_214 = arith.constant 11 : i32
          %swap3A_215 = arith.index_cast %swap3A_214 : i32 to index
          %swap3A_216 = arith.index_cast %mul3A_87 : i32 to index
          %swap3A_217 = tpu.vector_load %arg9[%swap3A_215, %swap3A_216] {strides = array<i32>} : memref<35x640xf32, #tpu.memory_space<vmem>>, vector<16xf32>,
          tpu.vector_store %arg9[%swap3A_215, %swap3A_216], %mul3A_213 {strides = array<i32>} : memref<35x640xf32, #tpu.memory_space<vmem>>, vector<16xf32>,
          %mul3A_218 = arith.mulf %get3A_94, %get3A_138 : vector<16xf32>
          %mul3A_219 = arith.mulf %get3A_98, %get3A_134 : vector<16xf32>
          %sub3A = arith.subf %mul3A_218, %mul3A_219 : vector<16xf32>
          %mul3A_220 = arith.mulf %get3A_102, %get3A_130 : vector<16xf32>
          %add3A_221 = arith.addf %sub3A, %mul3A_220 : vector<16xf32>
          %mul3A_222 = arith.constant 0.577350259 : f32
          %mul3A_223 = vector.broadcast %mul3A_222 : f32 to vector<16xf32>
          %mul3A_224 = arith.mulf %add3A_221, %mul3A_223 : vector<16xf32>
          %swap3A_225 = arith.constant 12 : i32
          %swap3A_226 = arith.index_cast %swap3A_225 : i32 to index
          %swap3A_227 = arith.index_cast %mul3A_87 : i32 to index
          %swap3A_228 = tpu.vector_load %arg9[%swap3A_226, %swap3A_227] {strides = array<i32>} : memref<35x640xf32, #tpu.memory_space<vmem>>, vector<16xf32>,
          tpu.vector_store %arg9[%swap3A_226, %swap3A_227], %mul3A_224 {strides = array<i32>} : memref<35x640xf32, #tpu.memory_space<vmem>>, vector<16xf32>,
          %mul3A_229 = arith.mulf %get3A_94, %get3A_130 : vector<16xf32>
          %swap3A_230 = arith.constant 13 : i32
          %swap3A_231 = arith.index_cast %swap3A_230 : i32 to index
          %swap3A_232 = arith.index_cast %mul3A_87 : i32 to index
          %swap3A_233 = tpu.vector_load %arg9[%swap3A_231, %swap3A_232] {strides = array<i32>} : memref<35x640xf32, #tpu.memory_space<vmem>>, vector<16xf32>,
          tpu.vector_store %arg9[%swap3A_231, %swap3A_232], %mul3A_229 {strides = array<i32>} : memref<35x640xf32, #tpu.memory_space<vmem>>, vector<16xf32>,
          %mul3A_234 = arith.mulf %get3A_94, %get3A_134 : vector<16xf32>
          %mul3A_235 = arith.mulf %get3A_98, %get3A_130 : vector<16xf32>
          %add3A_236 = arith.addf %mul3A_234, %mul3A_235 : vector<16xf32>
          %mul3A_237 = arith.constant 0.707106769 : f32
          %mul3A_238 = vector.broadcast %mul3A_237 : f32 to vector<16xf32>
          %mul3A_239 = arith.mulf %add3A_236, %mul3A_238 : vector<16xf32>
          %swap3A_240 = arith.constant 14 : i32
          %swap3A_241 = arith.index_cast %swap3A_240 : i32 to index
          %swap3A_242 = arith.index_cast %mul3A_87 : i32 to index
          %swap3A_243 = tpu.vector_load %arg9[%swap3A_241, %swap3A_242] {strides = array<i32>} : memref<35x640xf32, #tpu.memory_space<vmem>>, vector<16xf32>,
          tpu.vector_store %arg9[%swap3A_241, %swap3A_242], %mul3A_239 {strides = array<i32>} : memref<35x640xf32, #tpu.memory_space<vmem>>, vector<16xf32>,
          %add3A_244 = arith.addf %mul3A_218, %mul3A_220 : vector<16xf32>
          %mul3A_245 = arith.constant 0.408248305 : f32
          %mul3A_246 = vector.broadcast %mul3A_245 : f32 to vector<16xf32>
          %mul3A_247 = arith.mulf %add3A_244, %mul3A_246 : vector<16xf32>
          %mul3A_248 = arith.constant 0.816496611 : f32
          %mul3A_249 = vector.broadcast %mul3A_248 : f32 to vector<16xf32>
          %mul3A_250 = arith.mulf %mul3A_219, %mul3A_249 : vector<16xf32>
          %add3A_251 = arith.addf %mul3A_247, %mul3A_250 : vector<16xf32>
          %swap3A_252 = arith.constant 15 : i32
          %swap3A_253 = arith.index_cast %swap3A_252 : i32 to index
          %swap3A_254 = arith.index_cast %mul3A_87 : i32 to index
          %swap3A_255 = tpu.vector_load %arg9[%swap3A_253, %swap3A_254] {strides = array<i32>} : memref<35x640xf32, #tpu.memory_space<vmem>>, vector<16xf32>,
          tpu.vector_store %arg9[%swap3A_253, %swap3A_254], %add3A_251 {strides = array<i32>} : memref<35x640xf32, #tpu.memory_space<vmem>>, vector<16xf32>,
          %mul3A_256 = arith.mulf %get3A_98, %get3A_138 : vector<16xf32>
          %mul3A_257 = arith.mulf %get3A_102, %get3A_134 : vector<16xf32>
          %add3A_258 = arith.addf %mul3A_256, %mul3A_257 : vector<16xf32>
          %mul3A_259 = arith.constant 0.707106769 : f32
          %mul3A_260 = vector.broadcast %mul3A_259 : f32 to vector<16xf32>
          %mul3A_261 = arith.mulf %add3A_258, %mul3A_260 : vector<16xf32>
          %swap3A_262 = arith.constant 16 : i32
          %swap3A_263 = arith.index_cast %swap3A_262 : i32 to index
          %swap3A_264 = arith.index_cast %mul3A_87 : i32 to index
          %swap3A_265 = tpu.vector_load %arg9[%swap3A_263, %swap3A_264] {strides = array<i32>} : memref<35x640xf32, #tpu.memory_space<vmem>>, vector<16xf32>,
          tpu.vector_store %arg9[%swap3A_263, %swap3A_264], %mul3A_261 {strides = array<i32>} : memref<35x640xf32, #tpu.memory_space<vmem>>, vector<16xf32>,
          %mul3A_266 = arith.mulf %get3A_102, %get3A_138 : vector<16xf32>
          %swap3A_267 = arith.constant 17 : i32
          %swap3A_268 = arith.index_cast %swap3A_267 : i32 to index
          %swap3A_269 = arith.index_cast %mul3A_87 : i32 to index
          %swap3A_270 = tpu.vector_load %arg9[%swap3A_268, %swap3A_269] {strides = array<i32>} : memref<35x640xf32, #tpu.memory_space<vmem>>, vector<16xf32>,
          tpu.vector_store %arg9[%swap3A_268, %swap3A_269], %mul3A_266 {strides = array<i32>} : memref<35x640xf32, #tpu.memory_space<vmem>>, vector<16xf32>,
          %mul3A_271 = arith.mulf %get3A_94, %get3A_150 : vector<16xf32>
          %mul3A_272 = arith.constant 0.316227764 : f32
          %mul3A_273 = vector.broadcast %mul3A_272 : f32 to vector<16xf32>
          %mul3A_274 = arith.mulf %mul3A_271, %mul3A_273 : vector<16xf32>
          %mul3A_275 = arith.mulf %get3A_98, %get3A_146 : vector<16xf32>
          %mul3A_276 = arith.constant -0.547722578 : f32
          %mul3A_277 = vector.broadcast %mul3A_276 : f32 to vector<16xf32>
          %mul3A_278 = arith.mulf %mul3A_275, %mul3A_277 : vector<16xf32>
          %add3A_279 = arith.addf %mul3A_274, %mul3A_278 : vector<16xf32>
          %mul3A_280 = arith.mulf %get3A_102, %get3A_142 : vector<16xf32>
          %mul3A_281 = arith.constant 0.774596691 : f32
          %mul3A_282 = vector.broadcast %mul3A_281 : f32 to vector<16xf32>
          %mul3A_283 = arith.mulf %mul3A_280, %mul3A_282 : vector<16xf32>
          %add3A_284 = arith.addf %add3A_279, %mul3A_283 : vector<16xf32>
          %swap3A_285 = arith.constant 18 : i32
          %swap3A_286 = arith.index_cast %swap3A_285 : i32 to index
          %swap3A_287 = arith.index_cast %mul3A_87 : i32 to index
          %swap3A_288 = tpu.vector_load %arg9[%swap3A_286, %swap3A_287] {strides = array<i32>} : memref<35x640xf32, #tpu.memory_space<vmem>>, vector<16xf32>,
          tpu.vector_store %arg9[%swap3A_286, %swap3A_287], %add3A_284 {strides = array<i32>} : memref<35x640xf32, #tpu.memory_space<vmem>>, vector<16xf32>,
          %mul3A_289 = arith.mulf %get3A_94, %get3A_154 : vector<16xf32>
          %mul3A_290 = arith.mulf %get3A_102, %get3A_146 : vector<16xf32>
          %add3A_291 = arith.addf %mul3A_289, %mul3A_290 : vector<16xf32>
          %mul3A_292 = arith.constant 0.547722578 : f32
          %mul3A_293 = vector.broadcast %mul3A_292 : f32 to vector<16xf32>
          %mul3A_294 = arith.mulf %add3A_291, %mul3A_293 : vector<16xf32>
          %mul3A_295 = arith.mulf %get3A_98, %get3A_150 : vector<16xf32>
          %mul3A_296 = arith.constant -0.632455527 : f32
          %mul3A_297 = vector.broadcast %mul3A_296 : f32 to vector<16xf32>
          %mul3A_298 = arith.mulf %mul3A_295, %mul3A_297 : vector<16xf32>
          %add3A_299 = arith.addf %mul3A_294, %mul3A_298 : vector<16xf32>
          %swap3A_300 = arith.constant 19 : i32
          %swap3A_301 = arith.index_cast %swap3A_300 : i32 to index
          %swap3A_302 = arith.index_cast %mul3A_87 : i32 to index
          %swap3A_303 = tpu.vector_load %arg9[%swap3A_301, %swap3A_302] {strides = array<i32>} : memref<35x640xf32, #tpu.memory_space<vmem>>, vector<16xf32>,
          tpu.vector_store %arg9[%swap3A_301, %swap3A_302], %add3A_299 {strides = array<i32>} : memref<35x640xf32, #tpu.memory_space<vmem>>, vector<16xf32>,
          %mul3A_304 = arith.mulf %get3A_94, %get3A_158 : vector<16xf32>
          %mul3A_305 = arith.constant 0.774596691 : f32
          %mul3A_306 = vector.broadcast %mul3A_305 : f32 to vector<16xf32>
          %mul3A_307 = arith.mulf %mul3A_304, %mul3A_306 : vector<16xf32>
          %mul3A_308 = arith.mulf %get3A_98, %get3A_154 : vector<16xf32>
          %mul3A_309 = arith.constant -0.547722578 : f32
          %mul3A_310 = vector.broadcast %mul3A_309 : f32 to vector<16xf32>
          %mul3A_311 = arith.mulf %mul3A_308, %mul3A_310 : vector<16xf32>
          %add3A_312 = arith.addf %mul3A_307, %mul3A_311 : vector<16xf32>
          %mul3A_313 = arith.mulf %get3A_102, %get3A_150 : vector<16xf32>
          %mul3A_314 = arith.constant 0.316227764 : f32
          %mul3A_315 = vector.broadcast %mul3A_314 : f32 to vector<16xf32>
          %mul3A_316 = arith.mulf %mul3A_313, %mul3A_315 : vector<16xf32>
          %add3A_317 = arith.addf %add3A_312, %mul3A_316 : vector<16xf32>
          %swap3A_318 = arith.constant 20 : i32
          %swap3A_319 = arith.index_cast %swap3A_318 : i32 to index
          %swap3A_320 = arith.index_cast %mul3A_87 : i32 to index
          %swap3A_321 = tpu.vector_load %arg9[%swap3A_319, %swap3A_320] {strides = array<i32>} : memref<35x640xf32, #tpu.memory_space<vmem>>, vector<16xf32>,
          tpu.vector_store %arg9[%swap3A_319, %swap3A_320], %add3A_317 {strides = array<i32>} : memref<35x640xf32, #tpu.memory_space<vmem>>, vector<16xf32>,
          %mul3A_322 = arith.mulf %get3A_106, %get3A_126 : vector<16xf32>
          %swap3A_323 = arith.constant 21 : i32
          %swap3A_324 = arith.index_cast %swap3A_323 : i32 to index
          %swap3A_325 = arith.index_cast %mul3A_87 : i32 to index
          %swap3A_326 = tpu.vector_load %arg9[%swap3A_324, %swap3A_325] {strides = array<i32>} : memref<35x640xf32, #tpu.memory_space<vmem>>, vector<16xf32>,
          tpu.vector_store %arg9[%swap3A_324, %swap3A_325], %mul3A_322 {strides = array<i32>} : memref<35x640xf32, #tpu.memory_space<vmem>>, vector<16xf32>,
          %mul3A_327 = arith.mulf %get3A_110, %get3A_126 : vector<16xf32>
          %swap3A_328 = arith.constant 22 : i32
          %swap3A_329 = arith.index_cast %swap3A_328 : i32 to index
          %swap3A_330 = arith.index_cast %mul3A_87 : i32 to index
          %swap3A_331 = tpu.vector_load %arg9[%swap3A_329, %swap3A_330] {strides = array<i32>} : memref<35x640xf32, #tpu.memory_space<vmem>>, vector<16xf32>,
          tpu.vector_store %arg9[%swap3A_329, %swap3A_330], %mul3A_327 {strides = array<i32>} : memref<35x640xf32, #tpu.memory_space<vmem>>, vector<16xf32>,
          %mul3A_332 = arith.mulf %get3A_114, %get3A_126 : vector<16xf32>
          %swap3A_333 = arith.constant 23 : i32
          %swap3A_334 = arith.index_cast %swap3A_333 : i32 to index
          %swap3A_335 = arith.index_cast %mul3A_87 : i32 to index
          %swap3A_336 = tpu.vector_load %arg9[%swap3A_334, %swap3A_335] {strides = array<i32>} : memref<35x640xf32, #tpu.memory_space<vmem>>, vector<16xf32>,
          tpu.vector_store %arg9[%swap3A_334, %swap3A_335], %mul3A_332 {strides = array<i32>} : memref<35x640xf32, #tpu.memory_space<vmem>>, vector<16xf32>,
          %mul3A_337 = arith.mulf %get3A_118, %get3A_126 : vector<16xf32>
          %swap3A_338 = arith.constant 24 : i32
          %swap3A_339 = arith.index_cast %swap3A_338 : i32 to index
          %swap3A_340 = arith.index_cast %mul3A_87 : i32 to index
          %swap3A_341 = tpu.vector_load %arg9[%swap3A_339, %swap3A_340] {strides = array<i32>} : memref<35x640xf32, #tpu.memory_space<vmem>>, vector<16xf32>,
          tpu.vector_store %arg9[%swap3A_339, %swap3A_340], %mul3A_337 {strides = array<i32>} : memref<35x640xf32, #tpu.memory_space<vmem>>, vector<16xf32>,
          %mul3A_342 = arith.mulf %get3A_122, %get3A_126 : vector<16xf32>
          %swap3A_343 = arith.constant 25 : i32
          %swap3A_344 = arith.index_cast %swap3A_343 : i32 to index
          %swap3A_345 = arith.index_cast %mul3A_87 : i32 to index
          %swap3A_346 = tpu.vector_load %arg9[%swap3A_344, %swap3A_345] {strides = array<i32>} : memref<35x640xf32, #tpu.memory_space<vmem>>, vector<16xf32>,
          tpu.vector_store %arg9[%swap3A_344, %swap3A_345], %mul3A_342 {strides = array<i32>} : memref<35x640xf32, #tpu.memory_space<vmem>>, vector<16xf32>,
          %mul3A_347 = arith.mulf %get3A_106, %get3A_138 : vector<16xf32>
          %mul3A_348 = arith.constant 0.774596691 : f32
          %mul3A_349 = vector.broadcast %mul3A_348 : f32 to vector<16xf32>
          %mul3A_350 = arith.mulf %mul3A_347, %mul3A_349 : vector<16xf32>
          %mul3A_351 = arith.mulf %get3A_110, %get3A_134 : vector<16xf32>
          %mul3A_352 = arith.constant -0.547722578 : f32
          %mul3A_353 = vector.broadcast %mul3A_352 : f32 to vector<16xf32>
          %mul3A_354 = arith.mulf %mul3A_351, %mul3A_353 : vector<16xf32>
          %add3A_355 = arith.addf %mul3A_350, %mul3A_354 : vector<16xf32>
          %mul3A_356 = arith.mulf %get3A_114, %get3A_130 : vector<16xf32>
          %mul3A_357 = arith.constant 0.316227764 : f32
          %mul3A_358 = vector.broadcast %mul3A_357 : f32 to vector<16xf32>
          %mul3A_359 = arith.mulf %mul3A_356, %mul3A_358 : vector<16xf32>
          %add3A_360 = arith.addf %add3A_355, %mul3A_359 : vector<16xf32>
          %swap3A_361 = arith.constant 26 : i32
          %swap3A_362 = arith.index_cast %swap3A_361 : i32 to index
          %swap3A_363 = arith.index_cast %mul3A_87 : i32 to index
          %swap3A_364 = tpu.vector_load %arg9[%swap3A_362, %swap3A_363] {strides = array<i32>} : memref<35x640xf32, #tpu.memory_space<vmem>>, vector<16xf32>,
          tpu.vector_store %arg9[%swap3A_362, %swap3A_363], %add3A_360 {strides = array<i32>} : memref<35x640xf32, #tpu.memory_space<vmem>>, vector<16xf32>,
          %mul3A_365 = arith.mulf %get3A_110, %get3A_138 : vector<16xf32>
          %mul3A_366 = arith.mulf %get3A_118, %get3A_130 : vector<16xf32>
          %add3A_367 = arith.addf %mul3A_365, %mul3A_366 : vector<16xf32>
          %mul3A_368 = arith.constant 0.547722578 : f32
          %mul3A_369 = vector.broadcast %mul3A_368 : f32 to vector<16xf32>
          %mul3A_370 = arith.mulf %add3A_367, %mul3A_369 : vector<16xf32>
          %mul3A_371 = arith.mulf %get3A_114, %get3A_134 : vector<16xf32>
          %mul3A_372 = arith.constant -0.632455527 : f32
          %mul3A_373 = vector.broadcast %mul3A_372 : f32 to vector<16xf32>
          %mul3A_374 = arith.mulf %mul3A_371, %mul3A_373 : vector<16xf32>
          %add3A_375 = arith.addf %mul3A_370, %mul3A_374 : vector<16xf32>
          %swap3A_376 = arith.constant 27 : i32
          %swap3A_377 = arith.index_cast %swap3A_376 : i32 to index
          %swap3A_378 = arith.index_cast %mul3A_87 : i32 to index
          %swap3A_379 = tpu.vector_load %arg9[%swap3A_377, %swap3A_378] {strides = array<i32>} : memref<35x640xf32, #tpu.memory_space<vmem>>, vector<16xf32>,
          tpu.vector_store %arg9[%swap3A_377, %swap3A_378], %add3A_375 {strides = array<i32>} : memref<35x640xf32, #tpu.memory_space<vmem>>, vector<16xf32>,
          %mul3A_380 = arith.mulf %get3A_114, %get3A_138 : vector<16xf32>
          %mul3A_381 = arith.constant 0.316227764 : f32
          %mul3A_382 = vector.broadcast %mul3A_381 : f32 to vector<16xf32>
          %mul3A_383 = arith.mulf %mul3A_380, %mul3A_382 : vector<16xf32>
          %mul3A_384 = arith.mulf %get3A_118, %get3A_134 : vector<16xf32>
          %mul3A_385 = arith.constant -0.547722578 : f32
          %mul3A_386 = vector.broadcast %mul3A_385 : f32 to vector<16xf32>
          %mul3A_387 = arith.mulf %mul3A_384, %mul3A_386 : vector<16xf32>
          %add3A_388 = arith.addf %mul3A_383, %mul3A_387 : vector<16xf32>
          %mul3A_389 = arith.mulf %get3A_122, %get3A_130 : vector<16xf32>
          %mul3A_390 = arith.constant 0.774596691 : f32
          %mul3A_391 = vector.broadcast %mul3A_390 : f32 to vector<16xf32>
          %mul3A_392 = arith.mulf %mul3A_389, %mul3A_391 : vector<16xf32>
          %add3A_393 = arith.addf %add3A_388, %mul3A_392 : vector<16xf32>
          %swap3A_394 = arith.constant 28 : i32
          %swap3A_395 = arith.index_cast %swap3A_394 : i32 to index
          %swap3A_396 = arith.index_cast %mul3A_87 : i32 to index
          %swap3A_397 = tpu.vector_load %arg9[%swap3A_395, %swap3A_396] {strides = array<i32>} : memref<35x640xf32, #tpu.memory_space<vmem>>, vector<16xf32>,
          tpu.vector_store %arg9[%swap3A_395, %swap3A_396], %add3A_393 {strides = array<i32>} : memref<35x640xf32, #tpu.memory_space<vmem>>, vector<16xf32>,
          %mul3A_398 = arith.mulf %get3A_106, %get3A_158 : vector<16xf32>
          %mul3A_399 = arith.mulf %get3A_110, %get3A_154 : vector<16xf32>
          %sub3A_400 = arith.subf %mul3A_398, %mul3A_399 : vector<16xf32>
          %mul3A_401 = arith.mulf %get3A_114, %get3A_150 : vector<16xf32>
          %add3A_402 = arith.addf %sub3A_400, %mul3A_401 : vector<16xf32>
          %mul3A_403 = arith.mulf %get3A_118, %get3A_146 : vector<16xf32>
          %sub3A_404 = arith.subf %add3A_402, %mul3A_403 : vector<16xf32>
          %mul3A_405 = arith.mulf %get3A_122, %get3A_142 : vector<16xf32>
          %add3A_406 = arith.addf %sub3A_404, %mul3A_405 : vector<16xf32>
          %mul3A_407 = arith.constant 0.44721359 : f32
          %mul3A_408 = vector.broadcast %mul3A_407 : f32 to vector<16xf32>
          %mul3A_409 = arith.mulf %add3A_406, %mul3A_408 : vector<16xf32>
          %swap3A_410 = arith.constant 29 : i32
          %swap3A_411 = arith.index_cast %swap3A_410 : i32 to index
          %swap3A_412 = arith.index_cast %mul3A_87 : i32 to index
          %swap3A_413 = tpu.vector_load %arg9[%swap3A_411, %swap3A_412] {strides = array<i32>} : memref<35x640xf32, #tpu.memory_space<vmem>>, vector<16xf32>,
          tpu.vector_store %arg9[%swap3A_411, %swap3A_412], %mul3A_409 {strides = array<i32>} : memref<35x640xf32, #tpu.memory_space<vmem>>, vector<16xf32>,
          %mul3A_414 = arith.mulf %get3A_106, %get3A_150 : vector<16xf32>
          %mul3A_415 = arith.mulf %get3A_114, %get3A_142 : vector<16xf32>
          %add3A_416 = arith.addf %mul3A_414, %mul3A_415 : vector<16xf32>
          %mul3A_417 = arith.constant 0.534522474 : f32
          %mul3A_418 = vector.broadcast %mul3A_417 : f32 to vector<16xf32>
          %mul3A_419 = arith.mulf %add3A_416, %mul3A_418 : vector<16xf32>
          %mul3A_420 = arith.mulf %get3A_110, %get3A_146 : vector<16xf32>
          %mul3A_421 = arith.constant -0.654653668 : f32
          %mul3A_422 = vector.broadcast %mul3A_421 : f32 to vector<16xf32>
          %mul3A_423 = arith.mulf %mul3A_420, %mul3A_422 : vector<16xf32>
          %add3A_424 = arith.addf %mul3A_419, %mul3A_423 : vector<16xf32>
          %swap3A_425 = arith.constant 30 : i32
          %swap3A_426 = arith.index_cast %swap3A_425 : i32 to index
          %swap3A_427 = arith.index_cast %mul3A_87 : i32 to index
          %swap3A_428 = tpu.vector_load %arg9[%swap3A_426, %swap3A_427] {strides = array<i32>} : memref<35x640xf32, #tpu.memory_space<vmem>>, vector<16xf32>,
          tpu.vector_store %arg9[%swap3A_426, %swap3A_427], %add3A_424 {strides = array<i32>} : memref<35x640xf32, #tpu.memory_space<vmem>>, vector<16xf32>,
          %mul3A_429 = arith.mulf %get3A_106, %get3A_154 : vector<16xf32>
          %mul3A_430 = arith.mulf %get3A_118, %get3A_142 : vector<16xf32>
          %add3A_431 = arith.addf %mul3A_429, %mul3A_430 : vector<16xf32>
          %mul3A_432 = arith.constant 0.654653668 : f32
          %mul3A_433 = vector.broadcast %mul3A_432 : f32 to vector<16xf32>
          %mul3A_434 = arith.mulf %add3A_431, %mul3A_433 : vector<16xf32>
          %mul3A_435 = arith.mulf %get3A_110, %get3A_150 : vector<16xf32>
          %mul3A_436 = arith.mulf %get3A_114, %get3A_146 : vector<16xf32>
          %add3A_437 = arith.addf %mul3A_435, %mul3A_436 : vector<16xf32>
          %mul3A_438 = arith.constant -0.267261237 : f32
          %mul3A_439 = vector.broadcast %mul3A_438 : f32 to vector<16xf32>
          %mul3A_440 = arith.mulf %add3A_437, %mul3A_439 : vector<16xf32>
          %add3A_441 = arith.addf %mul3A_434, %mul3A_440 : vector<16xf32>
          %swap3A_442 = arith.constant 31 : i32
          %swap3A_443 = arith.index_cast %swap3A_442 : i32 to index
          %swap3A_444 = arith.index_cast %mul3A_87 : i32 to index
          %swap3A_445 = tpu.vector_load %arg9[%swap3A_443, %swap3A_444] {strides = array<i32>} : memref<35x640xf32, #tpu.memory_space<vmem>>, vector<16xf32>,
          tpu.vector_store %arg9[%swap3A_443, %swap3A_444], %add3A_441 {strides = array<i32>} : memref<35x640xf32, #tpu.memory_space<vmem>>, vector<16xf32>,
          %sub3A_446 = arith.subf %mul3A_398, %mul3A_401 : vector<16xf32>
          %add3A_447 = arith.addf %sub3A_446, %mul3A_405 : vector<16xf32>
          %mul3A_448 = arith.constant 0.534522474 : f32
          %mul3A_449 = vector.broadcast %mul3A_448 : f32 to vector<16xf32>
          %mul3A_450 = arith.mulf %add3A_447, %mul3A_449 : vector<16xf32>
          %add3A_451 = arith.addf %mul3A_399, %mul3A_403 : vector<16xf32>
          %mul3A_452 = arith.constant 0.267261237 : f32
          %mul3A_453 = vector.broadcast %mul3A_452 : f32 to vector<16xf32>
          %mul3A_454 = arith.mulf %add3A_451, %mul3A_453 : vector<16xf32>
          %add3A_455 = arith.addf %mul3A_450, %mul3A_454 : vector<16xf32>
          %swap3A_456 = arith.constant 32 : i32
          %swap3A_457 = arith.index_cast %swap3A_456 : i32 to index
          %swap3A_458 = arith.index_cast %mul3A_87 : i32 to index
          %swap3A_459 = tpu.vector_load %arg9[%swap3A_457, %swap3A_458] {strides = array<i32>} : memref<35x640xf32, #tpu.memory_space<vmem>>, vector<16xf32>,
          tpu.vector_store %arg9[%swap3A_457, %swap3A_458], %add3A_455 {strides = array<i32>} : memref<35x640xf32, #tpu.memory_space<vmem>>, vector<16xf32>,
          %mul3A_460 = arith.mulf %get3A_110, %get3A_158 : vector<16xf32>
          %mul3A_461 = arith.mulf %get3A_122, %get3A_146 : vector<16xf32>
          %add3A_462 = arith.addf %mul3A_460, %mul3A_461 : vector<16xf32>
          %mul3A_463 = arith.constant 0.654653668 : f32
          %mul3A_464 = vector.broadcast %mul3A_463 : f32 to vector<16xf32>
          %mul3A_465 = arith.mulf %add3A_462, %mul3A_464 : vector<16xf32>
          %mul3A_466 = arith.mulf %get3A_114, %get3A_154 : vector<16xf32>
          %mul3A_467 = arith.mulf %get3A_118, %get3A_150 : vector<16xf32>
          %add3A_468 = arith.addf %mul3A_466, %mul3A_467 : vector<16xf32>
          %mul3A_469 = arith.constant -0.267261237 : f32
          %mul3A_470 = vector.broadcast %mul3A_469 : f32 to vector<16xf32>
          %mul3A_471 = arith.mulf %add3A_468, %mul3A_470 : vector<16xf32>
          %add3A_472 = arith.addf %mul3A_465, %mul3A_471 : vector<16xf32>
          %swap3A_473 = arith.constant 33 : i32
          %swap3A_474 = arith.index_cast %swap3A_473 : i32 to index
          %swap3A_475 = arith.index_cast %mul3A_87 : i32 to index
          %swap3A_476 = tpu.vector_load %arg9[%swap3A_474, %swap3A_475] {strides = array<i32>} : memref<35x640xf32, #tpu.memory_space<vmem>>, vector<16xf32>,
          tpu.vector_store %arg9[%swap3A_474, %swap3A_475], %add3A_472 {strides = array<i32>} : memref<35x640xf32, #tpu.memory_space<vmem>>, vector<16xf32>,
          %mul3A_477 = arith.mulf %get3A_114, %get3A_158 : vector<16xf32>
          %mul3A_478 = arith.mulf %get3A_122, %get3A_150 : vector<16xf32>
          %add3A_479 = arith.addf %mul3A_477, %mul3A_478 : vector<16xf32>
          %mul3A_480 = arith.constant 0.534522474 : f32
          %mul3A_481 = vector.broadcast %mul3A_480 : f32 to vector<16xf32>
          %mul3A_482 = arith.mulf %add3A_479, %mul3A_481 : vector<16xf32>
          %mul3A_483 = arith.mulf %get3A_118, %get3A_154 : vector<16xf32>
          %mul3A_484 = arith.constant -0.654653668 : f32
          %mul3A_485 = vector.broadcast %mul3A_484 : f32 to vector<16xf32>
          %mul3A_486 = arith.mulf %mul3A_483, %mul3A_485 : vector<16xf32>
          %add3A_487 = arith.addf %mul3A_482, %mul3A_486 : vector<16xf32>
          %swap3A_488 = arith.constant 34 : i32
          %swap3A_489 = arith.index_cast %swap3A_488 : i32 to index
          %swap3A_490 = arith.index_cast %mul3A_87 : i32 to index
          %swap3A_491 = tpu.vector_load %arg9[%swap3A_489, %swap3A_490] {strides = array<i32>} : memref<35x640xf32, #tpu.memory_space<vmem>>, vector<16xf32>,
          tpu.vector_store %arg9[%swap3A_489, %swap3A_490], %add3A_487 {strides = array<i32>} : memref<35x640xf32, #tpu.memory_space<vmem>>, vector<16xf32>,
        }
        %scan3A_78 = arith.constant 40 : i32
        %mul3A_79 = arith.constant 640 : i32
        %mul3A_80 = arith.muli %add3A_38, %mul3A_79 : i32
        %dma_start3A_81 = arith.constant 0 : i32
        %dma_start3A_82 = tpu.memref_slice %arg4[%dma_start3A_81, %mul3A_80] : memref<35x1600000xf32, #tpu.memory_space<hbm>> -> memref<35x640xf32, #tpu.memory_space<hbm>>
        %dma_start3A_83 = arith.constant 0 : i32
        %dma_start3A_84 = tpu.memref_slice %arg4[%dma_start3A_83, %mul3A_80] : memref<35x1600000xf32, #tpu.memory_space<hbm>> -> memref<35x640xf32, #tpu.memory_space<hbm>>
        tpu.enqueue_dma source(%arg9 : memref<35x640xf32, #tpu.memory_space<vmem>>) target(%dma_start3A_84 : memref<35x640xf32, #tpu.memory_space<hbm>>) target_semaphore(%arg15 : memref<!tpu.dma_semaphore, #tpu.memory_space<semaphore_mem>>)
      } else {
      }
      %add3A_43 = arith.constant 2 : i32
      %add3A_44 = arith.addi %add3A_38, %add3A_43 : i32
      %lt3A_45 = arith.cmpi slt, %add3A_44, %add3A_9 : i32
      %convert_element_type3A_46 = arith.extui %lt3A_45 : i1 to i32
      %cond3A_47 = arith.constant 0 : i32
      %cond3A_48 = arith.cmpi ne, %convert_element_type3A_46, %cond3A_47 : i32
      scf.if %cond3A_48 {
        %add3A_53 = arith.constant 2 : i32
        %add3A_54 = arith.addi %add3A_38, %add3A_53 : i32
        %mul3A_55 = arith.constant 640 : i32
        %mul3A_56 = arith.muli %add3A_54, %mul3A_55 : i32
        %dma_start3A_57 = arith.constant 0 : i32
        %dma_start3A_58 = tpu.memref_slice %arg2[%dma_start3A_57, %mul3A_56] : memref<9x1600000xf32, #tpu.memory_space<hbm>> -> memref<9x640xf32, #tpu.memory_space<hbm>>
        %dma_start3A_59 = arith.constant 0 : i32
        %dma_start3A_60 = tpu.memref_slice %arg2[%dma_start3A_59, %mul3A_56] : memref<9x1600000xf32, #tpu.memory_space<hbm>> -> memref<9x640xf32, #tpu.memory_space<hbm>>
        tpu.enqueue_dma source(%dma_start3A_60 : memref<9x640xf32, #tpu.memory_space<hbm>>) target(%arg5 : memref<9x640xf32, #tpu.memory_space<vmem>>) target_semaphore(%arg11 : memref<!tpu.dma_semaphore, #tpu.memory_space<semaphore_mem>>)
        %dma_start3A_61 = arith.constant 0 : i32
        %dma_start3A_62 = tpu.memref_slice %arg3[%dma_start3A_61, %mul3A_56] : memref<9x1600000xf32, #tpu.memory_space<hbm>> -> memref<9x640xf32, #tpu.memory_space<hbm>>
        %dma_start3A_63 = arith.constant 0 : i32
        %dma_start3A_64 = tpu.memref_slice %arg3[%dma_start3A_63, %mul3A_56] : memref<9x1600000xf32, #tpu.memory_space<hbm>> -> memref<9x640xf32, #tpu.memory_space<hbm>>
        tpu.enqueue_dma source(%dma_start3A_64 : memref<9x640xf32, #tpu.memory_space<hbm>>) target(%arg7 : memref<9x640xf32, #tpu.memory_space<vmem>>) target_semaphore(%arg13 : memref<!tpu.dma_semaphore, #tpu.memory_space<semaphore_mem>>)
      } else {
      }
      %lt3A_49 = arith.cmpi slt, %add3A_40, %add3A_9 : i32
      %convert_element_type3A_50 = arith.extui %lt3A_49 : i1 to i32
      %cond3A_51 = arith.constant 0 : i32
      %cond3A_52 = arith.cmpi ne, %convert_element_type3A_50, %cond3A_51 : i32
      scf.if %cond3A_52 {
        %dma_wait3A_53 = arith.constant 0 : i32
        %dma_wait3A_54 = arith.constant 0 : i32
        %dma_wait3A_55 = tpu.memref_slice %arg2[%dma_wait3A_53, %dma_wait3A_54] : memref<9x1600000xf32, #tpu.memory_space<hbm>> -> memref<9x640xf32, #tpu.memory_space<hbm>>
        %dma_wait3A_56 = arith.constant 0 : i32
        %dma_wait3A_57 = arith.constant 0 : i32
        %dma_wait3A_58 = tpu.memref_slice %arg2[%dma_wait3A_56, %dma_wait3A_57] : memref<9x1600000xf32, #tpu.memory_space<hbm>> -> memref<9x640xf32, #tpu.memory_space<hbm>>
        tpu.wait_dma2 semaphore(%arg12 : memref<!tpu.dma_semaphore, #tpu.memory_space<semaphore_mem>>) src(%dma_wait3A_58 : memref<9x640xf32, #tpu.memory_space<hbm>>) dst(%arg6 : memref<9x640xf32, #tpu.memory_space<vmem>>)
        %dma_wait3A_59 = arith.constant 0 : i32
        %dma_wait3A_60 = arith.constant 0 : i32
        %dma_wait3A_61 = tpu.memref_slice %arg3[%dma_wait3A_59, %dma_wait3A_60] : memref<9x1600000xf32, #tpu.memory_space<hbm>> -> memref<9x640xf32, #tpu.memory_space<hbm>>
        %dma_wait3A_62 = arith.constant 0 : i32
        %dma_wait3A_63 = arith.constant 0 : i32
        %dma_wait3A_64 = tpu.memref_slice %arg3[%dma_wait3A_62, %dma_wait3A_63] : memref<9x1600000xf32, #tpu.memory_space<hbm>> -> memref<9x640xf32, #tpu.memory_space<hbm>>
        tpu.wait_dma2 semaphore(%arg14 : memref<!tpu.dma_semaphore, #tpu.memory_space<semaphore_mem>>) src(%dma_wait3A_64 : memref<9x640xf32, #tpu.memory_space<hbm>>) dst(%arg8 : memref<9x640xf32, #tpu.memory_space<vmem>>)
        %gt3A = arith.constant 0 : i32
        %gt3A_65 = arith.cmpi sgt, %scan3A_35, %gt3A : i32
        %convert_element_type3A_66 = arith.extui %gt3A_65 : i1 to i32
        %cond3A_67 = arith.constant 0 : i32
        %cond3A_68 = arith.cmpi ne, %convert_element_type3A_66, %cond3A_67 : i32
        scf.if %cond3A_68 {
          %dma_wait3A_81 = arith.constant 0 : i32
          %dma_wait3A_82 = arith.constant 0 : i32
          %dma_wait3A_83 = tpu.memref_slice %arg4[%dma_wait3A_81, %dma_wait3A_82] : memref<35x1600000xf32, #tpu.memory_space<hbm>> -> memref<35x640xf32, #tpu.memory_space<hbm>>
          %dma_wait3A_84 = arith.constant 0 : i32
          %dma_wait3A_85 = arith.constant 0 : i32
          %dma_wait3A_86 = tpu.memref_slice %arg4[%dma_wait3A_84, %dma_wait3A_85] : memref<35x1600000xf32, #tpu.memory_space<hbm>> -> memref<35x640xf32, #tpu.memory_space<hbm>>
          tpu.wait_dma2 semaphore(%arg16 : memref<!tpu.dma_semaphore, #tpu.memory_space<semaphore_mem>>) src(%arg10 : memref<35x640xf32, #tpu.memory_space<vmem>>) dst(%dma_wait3A_86 : memref<35x640xf32, #tpu.memory_space<hbm>>)
        } else {
        }
        %scan3A_69 = arith.constant 0 : i32
        %scan3A_70 = arith.constant 0 : i32
        %scan3A_71 = arith.constant 40 : i32
        %scan3A_72 = arith.addi %scan3A_70, %scan3A_71 : i32
        %scan3A_73 = arith.constant 1 : i32
        scf.for %scan3A_81 = %scan3A_70 to %scan3A_72 step %scan3A_73  : i32 {
          %mul3A_82 = arith.constant 16 : i32
          %mul3A_83 = arith.muli %scan3A_81, %mul3A_82 : i32
          %get3A = arith.constant 0 : i32
          %get3A_84 = arith.index_cast %get3A : i32 to index
          %get3A_85 = arith.index_cast %mul3A_83 : i32 to index
          %get3A_86 = tpu.vector_load %arg6[%get3A_84, %get3A_85] {strides = array<i32>} : memref<9x640xf32, #tpu.memory_space<vmem>>, vector<16xf32>,
          %get3A_87 = arith.constant 1 : i32
          %get3A_88 = arith.index_cast %get3A_87 : i32 to index
          %get3A_89 = arith.index_cast %mul3A_83 : i32 to index
          %get3A_90 = tpu.vector_load %arg6[%get3A_88, %get3A_89] {strides = array<i32>} : memref<9x640xf32, #tpu.memory_space<vmem>>, vector<16xf32>,
          %get3A_91 = arith.constant 2 : i32
          %get3A_92 = arith.index_cast %get3A_91 : i32 to index
          %get3A_93 = arith.index_cast %mul3A_83 : i32 to index
          %get3A_94 = tpu.vector_load %arg6[%get3A_92, %get3A_93] {strides = array<i32>} : memref<9x640xf32, #tpu.memory_space<vmem>>, vector<16xf32>,
          %get3A_95 = arith.constant 3 : i32
          %get3A_96 = arith.index_cast %get3A_95 : i32 to index
          %get3A_97 = arith.index_cast %mul3A_83 : i32 to index
          %get3A_98 = tpu.vector_load %arg6[%get3A_96, %get3A_97] {strides = array<i32>} : memref<9x640xf32, #tpu.memory_space<vmem>>, vector<16xf32>,
          %get3A_99 = arith.constant 4 : i32
          %get3A_100 = arith.index_cast %get3A_99 : i32 to index
          %get3A_101 = arith.index_cast %mul3A_83 : i32 to index
          %get3A_102 = tpu.vector_load %arg6[%get3A_100, %get3A_101] {strides = array<i32>} : memref<9x640xf32, #tpu.memory_space<vmem>>, vector<16xf32>,
          %get3A_103 = arith.constant 5 : i32
          %get3A_104 = arith.index_cast %get3A_103 : i32 to index
          %get3A_105 = arith.index_cast %mul3A_83 : i32 to index
          %get3A_106 = tpu.vector_load %arg6[%get3A_104, %get3A_105] {strides = array<i32>} : memref<9x640xf32, #tpu.memory_space<vmem>>, vector<16xf32>,
          %get3A_107 = arith.constant 6 : i32
          %get3A_108 = arith.index_cast %get3A_107 : i32 to index
          %get3A_109 = arith.index_cast %mul3A_83 : i32 to index
          %get3A_110 = tpu.vector_load %arg6[%get3A_108, %get3A_109] {strides = array<i32>} : memref<9x640xf32, #tpu.memory_space<vmem>>, vector<16xf32>,
          %get3A_111 = arith.constant 7 : i32
          %get3A_112 = arith.index_cast %get3A_111 : i32 to index
          %get3A_113 = arith.index_cast %mul3A_83 : i32 to index
          %get3A_114 = tpu.vector_load %arg6[%get3A_112, %get3A_113] {strides = array<i32>} : memref<9x640xf32, #tpu.memory_space<vmem>>, vector<16xf32>,
          %get3A_115 = arith.constant 8 : i32
          %get3A_116 = arith.index_cast %get3A_115 : i32 to index
          %get3A_117 = arith.index_cast %mul3A_83 : i32 to index
          %get3A_118 = tpu.vector_load %arg6[%get3A_116, %get3A_117] {strides = array<i32>} : memref<9x640xf32, #tpu.memory_space<vmem>>, vector<16xf32>,
          %get3A_119 = arith.constant 0 : i32
          %get3A_120 = arith.index_cast %get3A_119 : i32 to index
          %get3A_121 = arith.index_cast %mul3A_83 : i32 to index
          %get3A_122 = tpu.vector_load %arg8[%get3A_120, %get3A_121] {strides = array<i32>} : memref<9x640xf32, #tpu.memory_space<vmem>>, vector<16xf32>,
          %get3A_123 = arith.constant 1 : i32
          %get3A_124 = arith.index_cast %get3A_123 : i32 to index
          %get3A_125 = arith.index_cast %mul3A_83 : i32 to index
          %get3A_126 = tpu.vector_load %arg8[%get3A_124, %get3A_125] {strides = array<i32>} : memref<9x640xf32, #tpu.memory_space<vmem>>, vector<16xf32>,
          %get3A_127 = arith.constant 2 : i32
          %get3A_128 = arith.index_cast %get3A_127 : i32 to index
          %get3A_129 = arith.index_cast %mul3A_83 : i32 to index
          %get3A_130 = tpu.vector_load %arg8[%get3A_128, %get3A_129] {strides = array<i32>} : memref<9x640xf32, #tpu.memory_space<vmem>>, vector<16xf32>,
          %get3A_131 = arith.constant 3 : i32
          %get3A_132 = arith.index_cast %get3A_131 : i32 to index
          %get3A_133 = arith.index_cast %mul3A_83 : i32 to index
          %get3A_134 = tpu.vector_load %arg8[%get3A_132, %get3A_133] {strides = array<i32>} : memref<9x640xf32, #tpu.memory_space<vmem>>, vector<16xf32>,
          %get3A_135 = arith.constant 4 : i32
          %get3A_136 = arith.index_cast %get3A_135 : i32 to index
          %get3A_137 = arith.index_cast %mul3A_83 : i32 to index
          %get3A_138 = tpu.vector_load %arg8[%get3A_136, %get3A_137] {strides = array<i32>} : memref<9x640xf32, #tpu.memory_space<vmem>>, vector<16xf32>,
          %get3A_139 = arith.constant 5 : i32
          %get3A_140 = arith.index_cast %get3A_139 : i32 to index
          %get3A_141 = arith.index_cast %mul3A_83 : i32 to index
          %get3A_142 = tpu.vector_load %arg8[%get3A_140, %get3A_141] {strides = array<i32>} : memref<9x640xf32, #tpu.memory_space<vmem>>, vector<16xf32>,
          %get3A_143 = arith.constant 6 : i32
          %get3A_144 = arith.index_cast %get3A_143 : i32 to index
          %get3A_145 = arith.index_cast %mul3A_83 : i32 to index
          %get3A_146 = tpu.vector_load %arg8[%get3A_144, %get3A_145] {strides = array<i32>} : memref<9x640xf32, #tpu.memory_space<vmem>>, vector<16xf32>,
          %get3A_147 = arith.constant 7 : i32
          %get3A_148 = arith.index_cast %get3A_147 : i32 to index
          %get3A_149 = arith.index_cast %mul3A_83 : i32 to index
          %get3A_150 = tpu.vector_load %arg8[%get3A_148, %get3A_149] {strides = array<i32>} : memref<9x640xf32, #tpu.memory_space<vmem>>, vector<16xf32>,
          %get3A_151 = arith.constant 8 : i32
          %get3A_152 = arith.index_cast %get3A_151 : i32 to index
          %get3A_153 = arith.index_cast %mul3A_83 : i32 to index
          %get3A_154 = tpu.vector_load %arg8[%get3A_152, %get3A_153] {strides = array<i32>} : memref<9x640xf32, #tpu.memory_space<vmem>>, vector<16xf32>,
          %mul3A_155 = arith.mulf %get3A_86, %get3A_122 : vector<16xf32>
          %swap3A = arith.constant 0 : i32
          %swap3A_156 = arith.index_cast %swap3A : i32 to index
          %swap3A_157 = arith.index_cast %mul3A_83 : i32 to index
          %swap3A_158 = tpu.vector_load %arg10[%swap3A_156, %swap3A_157] {strides = array<i32>} : memref<35x640xf32, #tpu.memory_space<vmem>>, vector<16xf32>,
          tpu.vector_store %arg10[%swap3A_156, %swap3A_157], %mul3A_155 {strides = array<i32>} : memref<35x640xf32, #tpu.memory_space<vmem>>, vector<16xf32>,
          %mul3A_159 = arith.mulf %get3A_86, %get3A_126 : vector<16xf32>
          %swap3A_160 = arith.constant 1 : i32
          %swap3A_161 = arith.index_cast %swap3A_160 : i32 to index
          %swap3A_162 = arith.index_cast %mul3A_83 : i32 to index
          %swap3A_163 = tpu.vector_load %arg10[%swap3A_161, %swap3A_162] {strides = array<i32>} : memref<35x640xf32, #tpu.memory_space<vmem>>, vector<16xf32>,
          tpu.vector_store %arg10[%swap3A_161, %swap3A_162], %mul3A_159 {strides = array<i32>} : memref<35x640xf32, #tpu.memory_space<vmem>>, vector<16xf32>,
          %mul3A_164 = arith.mulf %get3A_86, %get3A_130 : vector<16xf32>
          %swap3A_165 = arith.constant 2 : i32
          %swap3A_166 = arith.index_cast %swap3A_165 : i32 to index
          %swap3A_167 = arith.index_cast %mul3A_83 : i32 to index
          %swap3A_168 = tpu.vector_load %arg10[%swap3A_166, %swap3A_167] {strides = array<i32>} : memref<35x640xf32, #tpu.memory_space<vmem>>, vector<16xf32>,
          tpu.vector_store %arg10[%swap3A_166, %swap3A_167], %mul3A_164 {strides = array<i32>} : memref<35x640xf32, #tpu.memory_space<vmem>>, vector<16xf32>,
          %mul3A_169 = arith.mulf %get3A_86, %get3A_134 : vector<16xf32>
          %swap3A_170 = arith.constant 3 : i32
          %swap3A_171 = arith.index_cast %swap3A_170 : i32 to index
          %swap3A_172 = arith.index_cast %mul3A_83 : i32 to index
          %swap3A_173 = tpu.vector_load %arg10[%swap3A_171, %swap3A_172] {strides = array<i32>} : memref<35x640xf32, #tpu.memory_space<vmem>>, vector<16xf32>,
          tpu.vector_store %arg10[%swap3A_171, %swap3A_172], %mul3A_169 {strides = array<i32>} : memref<35x640xf32, #tpu.memory_space<vmem>>, vector<16xf32>,
          %mul3A_174 = arith.mulf %get3A_86, %get3A_138 : vector<16xf32>
          %swap3A_175 = arith.constant 4 : i32
          %swap3A_176 = arith.index_cast %swap3A_175 : i32 to index
          %swap3A_177 = arith.index_cast %mul3A_83 : i32 to index
          %swap3A_178 = tpu.vector_load %arg10[%swap3A_176, %swap3A_177] {strides = array<i32>} : memref<35x640xf32, #tpu.memory_space<vmem>>, vector<16xf32>,
          tpu.vector_store %arg10[%swap3A_176, %swap3A_177], %mul3A_174 {strides = array<i32>} : memref<35x640xf32, #tpu.memory_space<vmem>>, vector<16xf32>,
          %mul3A_179 = arith.mulf %get3A_86, %get3A_142 : vector<16xf32>
          %swap3A_180 = arith.constant 5 : i32
          %swap3A_181 = arith.index_cast %swap3A_180 : i32 to index
          %swap3A_182 = arith.index_cast %mul3A_83 : i32 to index
          %swap3A_183 = tpu.vector_load %arg10[%swap3A_181, %swap3A_182] {strides = array<i32>} : memref<35x640xf32, #tpu.memory_space<vmem>>, vector<16xf32>,
          tpu.vector_store %arg10[%swap3A_181, %swap3A_182], %mul3A_179 {strides = array<i32>} : memref<35x640xf32, #tpu.memory_space<vmem>>, vector<16xf32>,
          %mul3A_184 = arith.mulf %get3A_86, %get3A_146 : vector<16xf32>
          %swap3A_185 = arith.constant 6 : i32
          %swap3A_186 = arith.index_cast %swap3A_185 : i32 to index
          %swap3A_187 = arith.index_cast %mul3A_83 : i32 to index
          %swap3A_188 = tpu.vector_load %arg10[%swap3A_186, %swap3A_187] {strides = array<i32>} : memref<35x640xf32, #tpu.memory_space<vmem>>, vector<16xf32>,
          tpu.vector_store %arg10[%swap3A_186, %swap3A_187], %mul3A_184 {strides = array<i32>} : memref<35x640xf32, #tpu.memory_space<vmem>>, vector<16xf32>,
          %mul3A_189 = arith.mulf %get3A_86, %get3A_150 : vector<16xf32>
          %swap3A_190 = arith.constant 7 : i32
          %swap3A_191 = arith.index_cast %swap3A_190 : i32 to index
          %swap3A_192 = arith.index_cast %mul3A_83 : i32 to index
          %swap3A_193 = tpu.vector_load %arg10[%swap3A_191, %swap3A_192] {strides = array<i32>} : memref<35x640xf32, #tpu.memory_space<vmem>>, vector<16xf32>,
          tpu.vector_store %arg10[%swap3A_191, %swap3A_192], %mul3A_189 {strides = array<i32>} : memref<35x640xf32, #tpu.memory_space<vmem>>, vector<16xf32>,
          %mul3A_194 = arith.mulf %get3A_86, %get3A_154 : vector<16xf32>
          %swap3A_195 = arith.constant 8 : i32
          %swap3A_196 = arith.index_cast %swap3A_195 : i32 to index
          %swap3A_197 = arith.index_cast %mul3A_83 : i32 to index
          %swap3A_198 = tpu.vector_load %arg10[%swap3A_196, %swap3A_197] {strides = array<i32>} : memref<35x640xf32, #tpu.memory_space<vmem>>, vector<16xf32>,
          tpu.vector_store %arg10[%swap3A_196, %swap3A_197], %mul3A_194 {strides = array<i32>} : memref<35x640xf32, #tpu.memory_space<vmem>>, vector<16xf32>,
          %mul3A_199 = arith.mulf %get3A_90, %get3A_122 : vector<16xf32>
          %swap3A_200 = arith.constant 9 : i32
          %swap3A_201 = arith.index_cast %swap3A_200 : i32 to index
          %swap3A_202 = arith.index_cast %mul3A_83 : i32 to index
          %swap3A_203 = tpu.vector_load %arg10[%swap3A_201, %swap3A_202] {strides = array<i32>} : memref<35x640xf32, #tpu.memory_space<vmem>>, vector<16xf32>,
          tpu.vector_store %arg10[%swap3A_201, %swap3A_202], %mul3A_199 {strides = array<i32>} : memref<35x640xf32, #tpu.memory_space<vmem>>, vector<16xf32>,
          %mul3A_204 = arith.mulf %get3A_94, %get3A_122 : vector<16xf32>
          %swap3A_205 = arith.constant 10 : i32
          %swap3A_206 = arith.index_cast %swap3A_205 : i32 to index
          %swap3A_207 = arith.index_cast %mul3A_83 : i32 to index
          %swap3A_208 = tpu.vector_load %arg10[%swap3A_206, %swap3A_207] {strides = array<i32>} : memref<35x640xf32, #tpu.memory_space<vmem>>, vector<16xf32>,
          tpu.vector_store %arg10[%swap3A_206, %swap3A_207], %mul3A_204 {strides = array<i32>} : memref<35x640xf32, #tpu.memory_space<vmem>>, vector<16xf32>,
          %mul3A_209 = arith.mulf %get3A_98, %get3A_122 : vector<16xf32>
          %swap3A_210 = arith.constant 11 : i32
          %swap3A_211 = arith.index_cast %swap3A_210 : i32 to index
          %swap3A_212 = arith.index_cast %mul3A_83 : i32 to index
          %swap3A_213 = tpu.vector_load %arg10[%swap3A_211, %swap3A_212] {strides = array<i32>} : memref<35x640xf32, #tpu.memory_space<vmem>>, vector<16xf32>,
          tpu.vector_store %arg10[%swap3A_211, %swap3A_212], %mul3A_209 {strides = array<i32>} : memref<35x640xf32, #tpu.memory_space<vmem>>, vector<16xf32>,
          %mul3A_214 = arith.mulf %get3A_90, %get3A_134 : vector<16xf32>
          %mul3A_215 = arith.mulf %get3A_94, %get3A_130 : vector<16xf32>
          %sub3A = arith.subf %mul3A_214, %mul3A_215 : vector<16xf32>
          %mul3A_216 = arith.mulf %get3A_98, %get3A_126 : vector<16xf32>
          %add3A_217 = arith.addf %sub3A, %mul3A_216 : vector<16xf32>
          %mul3A_218 = arith.constant 0.577350259 : f32
          %mul3A_219 = vector.broadcast %mul3A_218 : f32 to vector<16xf32>
          %mul3A_220 = arith.mulf %add3A_217, %mul3A_219 : vector<16xf32>
          %swap3A_221 = arith.constant 12 : i32
          %swap3A_222 = arith.index_cast %swap3A_221 : i32 to index
          %swap3A_223 = arith.index_cast %mul3A_83 : i32 to index
          %swap3A_224 = tpu.vector_load %arg10[%swap3A_222, %swap3A_223] {strides = array<i32>} : memref<35x640xf32, #tpu.memory_space<vmem>>, vector<16xf32>,
          tpu.vector_store %arg10[%swap3A_222, %swap3A_223], %mul3A_220 {strides = array<i32>} : memref<35x640xf32, #tpu.memory_space<vmem>>, vector<16xf32>,
          %mul3A_225 = arith.mulf %get3A_90, %get3A_126 : vector<16xf32>
          %swap3A_226 = arith.constant 13 : i32
          %swap3A_227 = arith.index_cast %swap3A_226 : i32 to index
          %swap3A_228 = arith.index_cast %mul3A_83 : i32 to index
          %swap3A_229 = tpu.vector_load %arg10[%swap3A_227, %swap3A_228] {strides = array<i32>} : memref<35x640xf32, #tpu.memory_space<vmem>>, vector<16xf32>,
          tpu.vector_store %arg10[%swap3A_227, %swap3A_228], %mul3A_225 {strides = array<i32>} : memref<35x640xf32, #tpu.memory_space<vmem>>, vector<16xf32>,
          %mul3A_230 = arith.mulf %get3A_90, %get3A_130 : vector<16xf32>
          %mul3A_231 = arith.mulf %get3A_94, %get3A_126 : vector<16xf32>
          %add3A_232 = arith.addf %mul3A_230, %mul3A_231 : vector<16xf32>
          %mul3A_233 = arith.constant 0.707106769 : f32
          %mul3A_234 = vector.broadcast %mul3A_233 : f32 to vector<16xf32>
          %mul3A_235 = arith.mulf %add3A_232, %mul3A_234 : vector<16xf32>
          %swap3A_236 = arith.constant 14 : i32
          %swap3A_237 = arith.index_cast %swap3A_236 : i32 to index
          %swap3A_238 = arith.index_cast %mul3A_83 : i32 to index
          %swap3A_239 = tpu.vector_load %arg10[%swap3A_237, %swap3A_238] {strides = array<i32>} : memref<35x640xf32, #tpu.memory_space<vmem>>, vector<16xf32>,
          tpu.vector_store %arg10[%swap3A_237, %swap3A_238], %mul3A_235 {strides = array<i32>} : memref<35x640xf32, #tpu.memory_space<vmem>>, vector<16xf32>,
          %add3A_240 = arith.addf %mul3A_214, %mul3A_216 : vector<16xf32>
          %mul3A_241 = arith.constant 0.408248305 : f32
          %mul3A_242 = vector.broadcast %mul3A_241 : f32 to vector<16xf32>
          %mul3A_243 = arith.mulf %add3A_240, %mul3A_242 : vector<16xf32>
          %mul3A_244 = arith.constant 0.816496611 : f32
          %mul3A_245 = vector.broadcast %mul3A_244 : f32 to vector<16xf32>
          %mul3A_246 = arith.mulf %mul3A_215, %mul3A_245 : vector<16xf32>
          %add3A_247 = arith.addf %mul3A_243, %mul3A_246 : vector<16xf32>
          %swap3A_248 = arith.constant 15 : i32
          %swap3A_249 = arith.index_cast %swap3A_248 : i32 to index
          %swap3A_250 = arith.index_cast %mul3A_83 : i32 to index
          %swap3A_251 = tpu.vector_load %arg10[%swap3A_249, %swap3A_250] {strides = array<i32>} : memref<35x640xf32, #tpu.memory_space<vmem>>, vector<16xf32>,
          tpu.vector_store %arg10[%swap3A_249, %swap3A_250], %add3A_247 {strides = array<i32>} : memref<35x640xf32, #tpu.memory_space<vmem>>, vector<16xf32>,
          %mul3A_252 = arith.mulf %get3A_94, %get3A_134 : vector<16xf32>
          %mul3A_253 = arith.mulf %get3A_98, %get3A_130 : vector<16xf32>
          %add3A_254 = arith.addf %mul3A_252, %mul3A_253 : vector<16xf32>
          %mul3A_255 = arith.constant 0.707106769 : f32
          %mul3A_256 = vector.broadcast %mul3A_255 : f32 to vector<16xf32>
          %mul3A_257 = arith.mulf %add3A_254, %mul3A_256 : vector<16xf32>
          %swap3A_258 = arith.constant 16 : i32
          %swap3A_259 = arith.index_cast %swap3A_258 : i32 to index
          %swap3A_260 = arith.index_cast %mul3A_83 : i32 to index
          %swap3A_261 = tpu.vector_load %arg10[%swap3A_259, %swap3A_260] {strides = array<i32>} : memref<35x640xf32, #tpu.memory_space<vmem>>, vector<16xf32>,
          tpu.vector_store %arg10[%swap3A_259, %swap3A_260], %mul3A_257 {strides = array<i32>} : memref<35x640xf32, #tpu.memory_space<vmem>>, vector<16xf32>,
          %mul3A_262 = arith.mulf %get3A_98, %get3A_134 : vector<16xf32>
          %swap3A_263 = arith.constant 17 : i32
          %swap3A_264 = arith.index_cast %swap3A_263 : i32 to index
          %swap3A_265 = arith.index_cast %mul3A_83 : i32 to index
          %swap3A_266 = tpu.vector_load %arg10[%swap3A_264, %swap3A_265] {strides = array<i32>} : memref<35x640xf32, #tpu.memory_space<vmem>>, vector<16xf32>,
          tpu.vector_store %arg10[%swap3A_264, %swap3A_265], %mul3A_262 {strides = array<i32>} : memref<35x640xf32, #tpu.memory_space<vmem>>, vector<16xf32>,
          %mul3A_267 = arith.mulf %get3A_90, %get3A_146 : vector<16xf32>
          %mul3A_268 = arith.constant 0.316227764 : f32
          %mul3A_269 = vector.broadcast %mul3A_268 : f32 to vector<16xf32>
          %mul3A_270 = arith.mulf %mul3A_267, %mul3A_269 : vector<16xf32>
          %mul3A_271 = arith.mulf %get3A_94, %get3A_142 : vector<16xf32>
          %mul3A_272 = arith.constant -0.547722578 : f32
          %mul3A_273 = vector.broadcast %mul3A_272 : f32 to vector<16xf32>
          %mul3A_274 = arith.mulf %mul3A_271, %mul3A_273 : vector<16xf32>
          %add3A_275 = arith.addf %mul3A_270, %mul3A_274 : vector<16xf32>
          %mul3A_276 = arith.mulf %get3A_98, %get3A_138 : vector<16xf32>
          %mul3A_277 = arith.constant 0.774596691 : f32
          %mul3A_278 = vector.broadcast %mul3A_277 : f32 to vector<16xf32>
          %mul3A_279 = arith.mulf %mul3A_276, %mul3A_278 : vector<16xf32>
          %add3A_280 = arith.addf %add3A_275, %mul3A_279 : vector<16xf32>
          %swap3A_281 = arith.constant 18 : i32
          %swap3A_282 = arith.index_cast %swap3A_281 : i32 to index
          %swap3A_283 = arith.index_cast %mul3A_83 : i32 to index
          %swap3A_284 = tpu.vector_load %arg10[%swap3A_282, %swap3A_283] {strides = array<i32>} : memref<35x640xf32, #tpu.memory_space<vmem>>, vector<16xf32>,
          tpu.vector_store %arg10[%swap3A_282, %swap3A_283], %add3A_280 {strides = array<i32>} : memref<35x640xf32, #tpu.memory_space<vmem>>, vector<16xf32>,
          %mul3A_285 = arith.mulf %get3A_90, %get3A_150 : vector<16xf32>
          %mul3A_286 = arith.mulf %get3A_98, %get3A_142 : vector<16xf32>
          %add3A_287 = arith.addf %mul3A_285, %mul3A_286 : vector<16xf32>
          %mul3A_288 = arith.constant 0.547722578 : f32
          %mul3A_289 = vector.broadcast %mul3A_288 : f32 to vector<16xf32>
          %mul3A_290 = arith.mulf %add3A_287, %mul3A_289 : vector<16xf32>
          %mul3A_291 = arith.mulf %get3A_94, %get3A_146 : vector<16xf32>
          %mul3A_292 = arith.constant -0.632455527 : f32
          %mul3A_293 = vector.broadcast %mul3A_292 : f32 to vector<16xf32>
          %mul3A_294 = arith.mulf %mul3A_291, %mul3A_293 : vector<16xf32>
          %add3A_295 = arith.addf %mul3A_290, %mul3A_294 : vector<16xf32>
          %swap3A_296 = arith.constant 19 : i32
          %swap3A_297 = arith.index_cast %swap3A_296 : i32 to index
          %swap3A_298 = arith.index_cast %mul3A_83 : i32 to index
          %swap3A_299 = tpu.vector_load %arg10[%swap3A_297, %swap3A_298] {strides = array<i32>} : memref<35x640xf32, #tpu.memory_space<vmem>>, vector<16xf32>,
          tpu.vector_store %arg10[%swap3A_297, %swap3A_298], %add3A_295 {strides = array<i32>} : memref<35x640xf32, #tpu.memory_space<vmem>>, vector<16xf32>,
          %mul3A_300 = arith.mulf %get3A_90, %get3A_154 : vector<16xf32>
          %mul3A_301 = arith.constant 0.774596691 : f32
          %mul3A_302 = vector.broadcast %mul3A_301 : f32 to vector<16xf32>
          %mul3A_303 = arith.mulf %mul3A_300, %mul3A_302 : vector<16xf32>
          %mul3A_304 = arith.mulf %get3A_94, %get3A_150 : vector<16xf32>
          %mul3A_305 = arith.constant -0.547722578 : f32
          %mul3A_306 = vector.broadcast %mul3A_305 : f32 to vector<16xf32>
          %mul3A_307 = arith.mulf %mul3A_304, %mul3A_306 : vector<16xf32>
          %add3A_308 = arith.addf %mul3A_303, %mul3A_307 : vector<16xf32>
          %mul3A_309 = arith.mulf %get3A_98, %get3A_146 : vector<16xf32>
          %mul3A_310 = arith.constant 0.316227764 : f32
          %mul3A_311 = vector.broadcast %mul3A_310 : f32 to vector<16xf32>
          %mul3A_312 = arith.mulf %mul3A_309, %mul3A_311 : vector<16xf32>
          %add3A_313 = arith.addf %add3A_308, %mul3A_312 : vector<16xf32>
          %swap3A_314 = arith.constant 20 : i32
          %swap3A_315 = arith.index_cast %swap3A_314 : i32 to index
          %swap3A_316 = arith.index_cast %mul3A_83 : i32 to index
          %swap3A_317 = tpu.vector_load %arg10[%swap3A_315, %swap3A_316] {strides = array<i32>} : memref<35x640xf32, #tpu.memory_space<vmem>>, vector<16xf32>,
          tpu.vector_store %arg10[%swap3A_315, %swap3A_316], %add3A_313 {strides = array<i32>} : memref<35x640xf32, #tpu.memory_space<vmem>>, vector<16xf32>,
          %mul3A_318 = arith.mulf %get3A_102, %get3A_122 : vector<16xf32>
          %swap3A_319 = arith.constant 21 : i32
          %swap3A_320 = arith.index_cast %swap3A_319 : i32 to index
          %swap3A_321 = arith.index_cast %mul3A_83 : i32 to index
          %swap3A_322 = tpu.vector_load %arg10[%swap3A_320, %swap3A_321] {strides = array<i32>} : memref<35x640xf32, #tpu.memory_space<vmem>>, vector<16xf32>,
          tpu.vector_store %arg10[%swap3A_320, %swap3A_321], %mul3A_318 {strides = array<i32>} : memref<35x640xf32, #tpu.memory_space<vmem>>, vector<16xf32>,
          %mul3A_323 = arith.mulf %get3A_106, %get3A_122 : vector<16xf32>
          %swap3A_324 = arith.constant 22 : i32
          %swap3A_325 = arith.index_cast %swap3A_324 : i32 to index
          %swap3A_326 = arith.index_cast %mul3A_83 : i32 to index
          %swap3A_327 = tpu.vector_load %arg10[%swap3A_325, %swap3A_326] {strides = array<i32>} : memref<35x640xf32, #tpu.memory_space<vmem>>, vector<16xf32>,
          tpu.vector_store %arg10[%swap3A_325, %swap3A_326], %mul3A_323 {strides = array<i32>} : memref<35x640xf32, #tpu.memory_space<vmem>>, vector<16xf32>,
          %mul3A_328 = arith.mulf %get3A_110, %get3A_122 : vector<16xf32>
          %swap3A_329 = arith.constant 23 : i32
          %swap3A_330 = arith.index_cast %swap3A_329 : i32 to index
          %swap3A_331 = arith.index_cast %mul3A_83 : i32 to index
          %swap3A_332 = tpu.vector_load %arg10[%swap3A_330, %swap3A_331] {strides = array<i32>} : memref<35x640xf32, #tpu.memory_space<vmem>>, vector<16xf32>,
          tpu.vector_store %arg10[%swap3A_330, %swap3A_331], %mul3A_328 {strides = array<i32>} : memref<35x640xf32, #tpu.memory_space<vmem>>, vector<16xf32>,
          %mul3A_333 = arith.mulf %get3A_114, %get3A_122 : vector<16xf32>
          %swap3A_334 = arith.constant 24 : i32
          %swap3A_335 = arith.index_cast %swap3A_334 : i32 to index
          %swap3A_336 = arith.index_cast %mul3A_83 : i32 to index
          %swap3A_337 = tpu.vector_load %arg10[%swap3A_335, %swap3A_336] {strides = array<i32>} : memref<35x640xf32, #tpu.memory_space<vmem>>, vector<16xf32>,
          tpu.vector_store %arg10[%swap3A_335, %swap3A_336], %mul3A_333 {strides = array<i32>} : memref<35x640xf32, #tpu.memory_space<vmem>>, vector<16xf32>,
          %mul3A_338 = arith.mulf %get3A_118, %get3A_122 : vector<16xf32>
          %swap3A_339 = arith.constant 25 : i32
          %swap3A_340 = arith.index_cast %swap3A_339 : i32 to index
          %swap3A_341 = arith.index_cast %mul3A_83 : i32 to index
          %swap3A_342 = tpu.vector_load %arg10[%swap3A_340, %swap3A_341] {strides = array<i32>} : memref<35x640xf32, #tpu.memory_space<vmem>>, vector<16xf32>,
          tpu.vector_store %arg10[%swap3A_340, %swap3A_341], %mul3A_338 {strides = array<i32>} : memref<35x640xf32, #tpu.memory_space<vmem>>, vector<16xf32>,
          %mul3A_343 = arith.mulf %get3A_102, %get3A_134 : vector<16xf32>
          %mul3A_344 = arith.constant 0.774596691 : f32
          %mul3A_345 = vector.broadcast %mul3A_344 : f32 to vector<16xf32>
          %mul3A_346 = arith.mulf %mul3A_343, %mul3A_345 : vector<16xf32>
          %mul3A_347 = arith.mulf %get3A_106, %get3A_130 : vector<16xf32>
          %mul3A_348 = arith.constant -0.547722578 : f32
          %mul3A_349 = vector.broadcast %mul3A_348 : f32 to vector<16xf32>
          %mul3A_350 = arith.mulf %mul3A_347, %mul3A_349 : vector<16xf32>
          %add3A_351 = arith.addf %mul3A_346, %mul3A_350 : vector<16xf32>
          %mul3A_352 = arith.mulf %get3A_110, %get3A_126 : vector<16xf32>
          %mul3A_353 = arith.constant 0.316227764 : f32
          %mul3A_354 = vector.broadcast %mul3A_353 : f32 to vector<16xf32>
          %mul3A_355 = arith.mulf %mul3A_352, %mul3A_354 : vector<16xf32>
          %add3A_356 = arith.addf %add3A_351, %mul3A_355 : vector<16xf32>
          %swap3A_357 = arith.constant 26 : i32
          %swap3A_358 = arith.index_cast %swap3A_357 : i32 to index
          %swap3A_359 = arith.index_cast %mul3A_83 : i32 to index
          %swap3A_360 = tpu.vector_load %arg10[%swap3A_358, %swap3A_359] {strides = array<i32>} : memref<35x640xf32, #tpu.memory_space<vmem>>, vector<16xf32>,
          tpu.vector_store %arg10[%swap3A_358, %swap3A_359], %add3A_356 {strides = array<i32>} : memref<35x640xf32, #tpu.memory_space<vmem>>, vector<16xf32>,
          %mul3A_361 = arith.mulf %get3A_106, %get3A_134 : vector<16xf32>
          %mul3A_362 = arith.mulf %get3A_114, %get3A_126 : vector<16xf32>
          %add3A_363 = arith.addf %mul3A_361, %mul3A_362 : vector<16xf32>
          %mul3A_364 = arith.constant 0.547722578 : f32
          %mul3A_365 = vector.broadcast %mul3A_364 : f32 to vector<16xf32>
          %mul3A_366 = arith.mulf %add3A_363, %mul3A_365 : vector<16xf32>
          %mul3A_367 = arith.mulf %get3A_110, %get3A_130 : vector<16xf32>
          %mul3A_368 = arith.constant -0.632455527 : f32
          %mul3A_369 = vector.broadcast %mul3A_368 : f32 to vector<16xf32>
          %mul3A_370 = arith.mulf %mul3A_367, %mul3A_369 : vector<16xf32>
          %add3A_371 = arith.addf %mul3A_366, %mul3A_370 : vector<16xf32>
          %swap3A_372 = arith.constant 27 : i32
          %swap3A_373 = arith.index_cast %swap3A_372 : i32 to index
          %swap3A_374 = arith.index_cast %mul3A_83 : i32 to index
          %swap3A_375 = tpu.vector_load %arg10[%swap3A_373, %swap3A_374] {strides = array<i32>} : memref<35x640xf32, #tpu.memory_space<vmem>>, vector<16xf32>,
          tpu.vector_store %arg10[%swap3A_373, %swap3A_374], %add3A_371 {strides = array<i32>} : memref<35x640xf32, #tpu.memory_space<vmem>>, vector<16xf32>,
          %mul3A_376 = arith.mulf %get3A_110, %get3A_134 : vector<16xf32>
          %mul3A_377 = arith.constant 0.316227764 : f32
          %mul3A_378 = vector.broadcast %mul3A_377 : f32 to vector<16xf32>
          %mul3A_379 = arith.mulf %mul3A_376, %mul3A_378 : vector<16xf32>
          %mul3A_380 = arith.mulf %get3A_114, %get3A_130 : vector<16xf32>
          %mul3A_381 = arith.constant -0.547722578 : f32
          %mul3A_382 = vector.broadcast %mul3A_381 : f32 to vector<16xf32>
          %mul3A_383 = arith.mulf %mul3A_380, %mul3A_382 : vector<16xf32>
          %add3A_384 = arith.addf %mul3A_379, %mul3A_383 : vector<16xf32>
          %mul3A_385 = arith.mulf %get3A_118, %get3A_126 : vector<16xf32>
          %mul3A_386 = arith.constant 0.774596691 : f32
          %mul3A_387 = vector.broadcast %mul3A_386 : f32 to vector<16xf32>
          %mul3A_388 = arith.mulf %mul3A_385, %mul3A_387 : vector<16xf32>
          %add3A_389 = arith.addf %add3A_384, %mul3A_388 : vector<16xf32>
          %swap3A_390 = arith.constant 28 : i32
          %swap3A_391 = arith.index_cast %swap3A_390 : i32 to index
          %swap3A_392 = arith.index_cast %mul3A_83 : i32 to index
          %swap3A_393 = tpu.vector_load %arg10[%swap3A_391, %swap3A_392] {strides = array<i32>} : memref<35x640xf32, #tpu.memory_space<vmem>>, vector<16xf32>,
          tpu.vector_store %arg10[%swap3A_391, %swap3A_392], %add3A_389 {strides = array<i32>} : memref<35x640xf32, #tpu.memory_space<vmem>>, vector<16xf32>,
          %mul3A_394 = arith.mulf %get3A_102, %get3A_154 : vector<16xf32>
          %mul3A_395 = arith.mulf %get3A_106, %get3A_150 : vector<16xf32>
          %sub3A_396 = arith.subf %mul3A_394, %mul3A_395 : vector<16xf32>
          %mul3A_397 = arith.mulf %get3A_110, %get3A_146 : vector<16xf32>
          %add3A_398 = arith.addf %sub3A_396, %mul3A_397 : vector<16xf32>
          %mul3A_399 = arith.mulf %get3A_114, %get3A_142 : vector<16xf32>
          %sub3A_400 = arith.subf %add3A_398, %mul3A_399 : vector<16xf32>
          %mul3A_401 = arith.mulf %get3A_118, %get3A_138 : vector<16xf32>
          %add3A_402 = arith.addf %sub3A_400, %mul3A_401 : vector<16xf32>
          %mul3A_403 = arith.constant 0.44721359 : f32
          %mul3A_404 = vector.broadcast %mul3A_403 : f32 to vector<16xf32>
          %mul3A_405 = arith.mulf %add3A_402, %mul3A_404 : vector<16xf32>
          %swap3A_406 = arith.constant 29 : i32
          %swap3A_407 = arith.index_cast %swap3A_406 : i32 to index
          %swap3A_408 = arith.index_cast %mul3A_83 : i32 to index
          %swap3A_409 = tpu.vector_load %arg10[%swap3A_407, %swap3A_408] {strides = array<i32>} : memref<35x640xf32, #tpu.memory_space<vmem>>, vector<16xf32>,
          tpu.vector_store %arg10[%swap3A_407, %swap3A_408], %mul3A_405 {strides = array<i32>} : memref<35x640xf32, #tpu.memory_space<vmem>>, vector<16xf32>,
          %mul3A_410 = arith.mulf %get3A_102, %get3A_146 : vector<16xf32>
          %mul3A_411 = arith.mulf %get3A_110, %get3A_138 : vector<16xf32>
          %add3A_412 = arith.addf %mul3A_410, %mul3A_411 : vector<16xf32>
          %mul3A_413 = arith.constant 0.534522474 : f32
          %mul3A_414 = vector.broadcast %mul3A_413 : f32 to vector<16xf32>
          %mul3A_415 = arith.mulf %add3A_412, %mul3A_414 : vector<16xf32>
          %mul3A_416 = arith.mulf %get3A_106, %get3A_142 : vector<16xf32>
          %mul3A_417 = arith.constant -0.654653668 : f32
          %mul3A_418 = vector.broadcast %mul3A_417 : f32 to vector<16xf32>
          %mul3A_419 = arith.mulf %mul3A_416, %mul3A_418 : vector<16xf32>
          %add3A_420 = arith.addf %mul3A_415, %mul3A_419 : vector<16xf32>
          %swap3A_421 = arith.constant 30 : i32
          %swap3A_422 = arith.index_cast %swap3A_421 : i32 to index
          %swap3A_423 = arith.index_cast %mul3A_83 : i32 to index
          %swap3A_424 = tpu.vector_load %arg10[%swap3A_422, %swap3A_423] {strides = array<i32>} : memref<35x640xf32, #tpu.memory_space<vmem>>, vector<16xf32>,
          tpu.vector_store %arg10[%swap3A_422, %swap3A_423], %add3A_420 {strides = array<i32>} : memref<35x640xf32, #tpu.memory_space<vmem>>, vector<16xf32>,
          %mul3A_425 = arith.mulf %get3A_102, %get3A_150 : vector<16xf32>
          %mul3A_426 = arith.mulf %get3A_114, %get3A_138 : vector<16xf32>
          %add3A_427 = arith.addf %mul3A_425, %mul3A_426 : vector<16xf32>
          %mul3A_428 = arith.constant 0.654653668 : f32
          %mul3A_429 = vector.broadcast %mul3A_428 : f32 to vector<16xf32>
          %mul3A_430 = arith.mulf %add3A_427, %mul3A_429 : vector<16xf32>
          %mul3A_431 = arith.mulf %get3A_106, %get3A_146 : vector<16xf32>
          %mul3A_432 = arith.mulf %get3A_110, %get3A_142 : vector<16xf32>
          %add3A_433 = arith.addf %mul3A_431, %mul3A_432 : vector<16xf32>
          %mul3A_434 = arith.constant -0.267261237 : f32
          %mul3A_435 = vector.broadcast %mul3A_434 : f32 to vector<16xf32>
          %mul3A_436 = arith.mulf %add3A_433, %mul3A_435 : vector<16xf32>
          %add3A_437 = arith.addf %mul3A_430, %mul3A_436 : vector<16xf32>
          %swap3A_438 = arith.constant 31 : i32
          %swap3A_439 = arith.index_cast %swap3A_438 : i32 to index
          %swap3A_440 = arith.index_cast %mul3A_83 : i32 to index
          %swap3A_441 = tpu.vector_load %arg10[%swap3A_439, %swap3A_440] {strides = array<i32>} : memref<35x640xf32, #tpu.memory_space<vmem>>, vector<16xf32>,
          tpu.vector_store %arg10[%swap3A_439, %swap3A_440], %add3A_437 {strides = array<i32>} : memref<35x640xf32, #tpu.memory_space<vmem>>, vector<16xf32>,
          %sub3A_442 = arith.subf %mul3A_394, %mul3A_397 : vector<16xf32>
          %add3A_443 = arith.addf %sub3A_442, %mul3A_401 : vector<16xf32>
          %mul3A_444 = arith.constant 0.534522474 : f32
          %mul3A_445 = vector.broadcast %mul3A_444 : f32 to vector<16xf32>
          %mul3A_446 = arith.mulf %add3A_443, %mul3A_445 : vector<16xf32>
          %add3A_447 = arith.addf %mul3A_395, %mul3A_399 : vector<16xf32>
          %mul3A_448 = arith.constant 0.267261237 : f32
          %mul3A_449 = vector.broadcast %mul3A_448 : f32 to vector<16xf32>
          %mul3A_450 = arith.mulf %add3A_447, %mul3A_449 : vector<16xf32>
          %add3A_451 = arith.addf %mul3A_446, %mul3A_450 : vector<16xf32>
          %swap3A_452 = arith.constant 32 : i32
          %swap3A_453 = arith.index_cast %swap3A_452 : i32 to index
          %swap3A_454 = arith.index_cast %mul3A_83 : i32 to index
          %swap3A_455 = tpu.vector_load %arg10[%swap3A_453, %swap3A_454] {strides = array<i32>} : memref<35x640xf32, #tpu.memory_space<vmem>>, vector<16xf32>,
          tpu.vector_store %arg10[%swap3A_453, %swap3A_454], %add3A_451 {strides = array<i32>} : memref<35x640xf32, #tpu.memory_space<vmem>>, vector<16xf32>,
          %mul3A_456 = arith.mulf %get3A_106, %get3A_154 : vector<16xf32>
          %mul3A_457 = arith.mulf %get3A_118, %get3A_142 : vector<16xf32>
          %add3A_458 = arith.addf %mul3A_456, %mul3A_457 : vector<16xf32>
          %mul3A_459 = arith.constant 0.654653668 : f32
          %mul3A_460 = vector.broadcast %mul3A_459 : f32 to vector<16xf32>
          %mul3A_461 = arith.mulf %add3A_458, %mul3A_460 : vector<16xf32>
          %mul3A_462 = arith.mulf %get3A_110, %get3A_150 : vector<16xf32>
          %mul3A_463 = arith.mulf %get3A_114, %get3A_146 : vector<16xf32>
          %add3A_464 = arith.addf %mul3A_462, %mul3A_463 : vector<16xf32>
          %mul3A_465 = arith.constant -0.267261237 : f32
          %mul3A_466 = vector.broadcast %mul3A_465 : f32 to vector<16xf32>
          %mul3A_467 = arith.mulf %add3A_464, %mul3A_466 : vector<16xf32>
          %add3A_468 = arith.addf %mul3A_461, %mul3A_467 : vector<16xf32>
          %swap3A_469 = arith.constant 33 : i32
          %swap3A_470 = arith.index_cast %swap3A_469 : i32 to index
          %swap3A_471 = arith.index_cast %mul3A_83 : i32 to index
          %swap3A_472 = tpu.vector_load %arg10[%swap3A_470, %swap3A_471] {strides = array<i32>} : memref<35x640xf32, #tpu.memory_space<vmem>>, vector<16xf32>,
          tpu.vector_store %arg10[%swap3A_470, %swap3A_471], %add3A_468 {strides = array<i32>} : memref<35x640xf32, #tpu.memory_space<vmem>>, vector<16xf32>,
          %mul3A_473 = arith.mulf %get3A_110, %get3A_154 : vector<16xf32>
          %mul3A_474 = arith.mulf %get3A_118, %get3A_146 : vector<16xf32>
          %add3A_475 = arith.addf %mul3A_473, %mul3A_474 : vector<16xf32>
          %mul3A_476 = arith.constant 0.534522474 : f32
          %mul3A_477 = vector.broadcast %mul3A_476 : f32 to vector<16xf32>
          %mul3A_478 = arith.mulf %add3A_475, %mul3A_477 : vector<16xf32>
          %mul3A_479 = arith.mulf %get3A_114, %get3A_150 : vector<16xf32>
          %mul3A_480 = arith.constant -0.654653668 : f32
          %mul3A_481 = vector.broadcast %mul3A_480 : f32 to vector<16xf32>
          %mul3A_482 = arith.mulf %mul3A_479, %mul3A_481 : vector<16xf32>
          %add3A_483 = arith.addf %mul3A_478, %mul3A_482 : vector<16xf32>
          %swap3A_484 = arith.constant 34 : i32
          %swap3A_485 = arith.index_cast %swap3A_484 : i32 to index
          %swap3A_486 = arith.index_cast %mul3A_83 : i32 to index
          %swap3A_487 = tpu.vector_load %arg10[%swap3A_485, %swap3A_486] {strides = array<i32>} : memref<35x640xf32, #tpu.memory_space<vmem>>, vector<16xf32>,
          tpu.vector_store %arg10[%swap3A_485, %swap3A_486], %add3A_483 {strides = array<i32>} : memref<35x640xf32, #tpu.memory_space<vmem>>, vector<16xf32>,
        }
        %scan3A_74 = arith.constant 40 : i32
        %mul3A_75 = arith.constant 640 : i32
        %mul3A_76 = arith.muli %add3A_40, %mul3A_75 : i32
        %dma_start3A_77 = arith.constant 0 : i32
        %dma_start3A_78 = tpu.memref_slice %arg4[%dma_start3A_77, %mul3A_76] : memref<35x1600000xf32, #tpu.memory_space<hbm>> -> memref<35x640xf32, #tpu.memory_space<hbm>>
        %dma_start3A_79 = arith.constant 0 : i32
        %dma_start3A_80 = tpu.memref_slice %arg4[%dma_start3A_79, %mul3A_76] : memref<35x1600000xf32, #tpu.memory_space<hbm>> -> memref<35x640xf32, #tpu.memory_space<hbm>>
        tpu.enqueue_dma source(%arg10 : memref<35x640xf32, #tpu.memory_space<vmem>>) target(%dma_start3A_80 : memref<35x640xf32, #tpu.memory_space<hbm>>) target_semaphore(%arg16 : memref<!tpu.dma_semaphore, #tpu.memory_space<semaphore_mem>>)
      } else {
      }
    }
    %scan3A_23 = arith.constant 40 : i32
    %dma_wait3A = arith.constant 0 : i32
    %dma_wait3A_24 = arith.constant 0 : i32
    %dma_wait3A_25 = tpu.memref_slice %arg4[%dma_wait3A, %dma_wait3A_24] : memref<35x1600000xf32, #tpu.memory_space<hbm>> -> memref<35x640xf32, #tpu.memory_space<hbm>>
    %dma_wait3A_26 = arith.constant 0 : i32
    %dma_wait3A_27 = arith.constant 0 : i32
    %dma_wait3A_28 = tpu.memref_slice %arg4[%dma_wait3A_26, %dma_wait3A_27] : memref<35x1600000xf32, #tpu.memory_space<hbm>> -> memref<35x640xf32, #tpu.memory_space<hbm>>
    tpu.wait_dma2 semaphore(%arg15 : memref<!tpu.dma_semaphore, #tpu.memory_space<semaphore_mem>>) src(%arg9 : memref<35x640xf32, #tpu.memory_space<vmem>>) dst(%dma_wait3A_28 : memref<35x640xf32, #tpu.memory_space<hbm>>)
    %dma_wait3A_29 = arith.constant 0 : i32
    %dma_wait3A_30 = arith.constant 0 : i32
    %dma_wait3A_31 = tpu.memref_slice %arg4[%dma_wait3A_29, %dma_wait3A_30] : memref<35x1600000xf32, #tpu.memory_space<hbm>> -> memref<35x640xf32, #tpu.memory_space<hbm>>
    %dma_wait3A_32 = arith.constant 0 : i32
    %dma_wait3A_33 = arith.constant 0 : i32
    %dma_wait3A_34 = tpu.memref_slice %arg4[%dma_wait3A_32, %dma_wait3A_33] : memref<35x1600000xf32, #tpu.memory_space<hbm>> -> memref<35x640xf32, #tpu.memory_space<hbm>>
    tpu.wait_dma2 semaphore(%arg16 : memref<!tpu.dma_semaphore, #tpu.memory_space<semaphore_mem>>) src(%arg10 : memref<35x640xf32, #tpu.memory_space<vmem>>) dst(%dma_wait3A_34 : memref<35x640xf32, #tpu.memory_space<hbm>>)
    return
  }
}

</mosaic_0001>

<sc_bundles>
// kernel: kernel.3.cloned.1.call-start
scs
__scs_entry_jumppad:
0x0: {  	(pc) =	sbr.rel $0x88, $3  }
0x1: {  	(tag) =	ssettag $0x0;
	lr =	simm.s32 $0x1  }
0x2: {  	[smem:$0x3F9F] =	sst lr;
	_ =	strace $0xD0000000  }
0x3: {  	_ = 	snop  }
0x4: {  	_ = 	snop  }
0x5: {  	_ = 	snop  }
0x6: {  	_ = 	snop  }
0x7: {  	_ = 	snop  }
__scs_overlays_trampoline_lowered:
0x8: {  	[smem:$0x3FAE] =	sst s0  }
0x9: {  	[smem:$0x3FAF] =	sst s1  }
0xa: {  	[smem:$0x3FB0] =	sst s2  }
0xb: {  	[smem:$0x3FB1] =	sst s3  }
0xc: {  	[smem:$0x3FB2] =	sst s4  }
0xd: {  	[smem:$0x3FB3] =	sst s5  }
0xe: {  	[smem:$0x3FB4] =	sst s6  }
0xf: {  	[smem:$0x3FB5] =	sst s7  }
0x10: {  	[smem:$0x3FB6] =	sst s8  }
0x11: {  	[smem:$0x3FB7] =	sst s9;
	s0 =	simm.s32 @!p0 $0x0  }
0x12: {  	s1 =	sld [smem:$0x3F9D];
	s0 =	simm.s32 @p0 $0x1  }
0x13: {  	[smem:$0x3FB8] =	sst s0;
	s0 =	simm.s32 @!p1 $0x0  }
0x14: {  	s2 =	sld [smem:$0x3F9C];
	s0 =	simm.s32 @p1 $0x1  }
0x15: {  	[smem:$0x3FB9] =	sst s0;
	s0 =	simm.s32 @!p2 $0x0  }
0x16: {  	s3 =	sld [smem:$0x3FDB];
	s0 =	simm.s32 @p2 $0x1  }
0x17: {  	s4 =	simm.s32 $0x1BF5;
	[smem:$0x3FBB] =	sst s0  }
0x18: {  	s0 =	sld [smem:$0x3F9E];
	_ =	swait.ge [sflag:s4], $0x0  }
0x19: {  	s7 =	sld [smem:$0x3F9F]  }
0x1a: {  	s8 =	sadd.s32 $0xFFFFE003, lr  }
0x1b: {  	s9 =	sadd.s32 $0xFFFFFEF7, lr;
	s5 =	simm.s32 $0xFFFFFFFF;
	p2 =	slt.u32 s8, $0xFFFFF086  }
0x1c: {  	p1 =	slt.u32 s9, $0xF7A;
	s5 =	simm.s32 @!p2 $0x0  }
0x1d: {  	s5 =	simm.s32 @p1 $0x1;
	p0 =	seq.s32 s7, s2  }
0x1e: {  	s7 =	smul.u32 @!p0 $0xF7A, s2;
	p2 =	seq.s32 @!p0 s5, $0x0  }
0x1f: {  	s9 =	smul.u32 $0xF7A, s1;
	s8 =	simm.s32 @!p0 $0x1BF5;
	p2 =	por !p2, p0  }
0x20: {  	[sflag:s8] =	ssyncset.s32 @!p0 $0xFFFFF086;
	s6 =	sadd.s32 @!p0 s3, s7;
	s7 =	simm.s32 @!p0 $0x108  }
0x21: {  	s3 =	sadd.s32 s3, s9;
	s6 =	sadd.s32 @!p0 $0x88, s6;
	s7 =	simm.s32 @p2 $0x1082  }
0x22: {  	[simem:s7], [sflag:s8] =	dma.local @!p0 [hbm:s6], $0xF7A  }
0x23: {  	s9 =	sor.u32 $0xD0000000, s2;
	s6 =	simm.s32 $0x108;
	_ =	swait.ge @!p0 [sflag:s8], $0x0  }
0x24: {  	s3 =	sadd.s32 $0x88, s3;
	s6 =	simm.s32 @!p1 $0x1082;
	[sflag:s4] =	ssyncset.s32 $0xFFFFF086  }
0x25: {  	[simem:s6], [sflag:s4] =	dma.local [hbm:s3], $0xF7A  }
0x26: {  	[smem:$0x3F9F] =	sst s1;
	(tag) =	ssettag s2;
	_ =	strace s9  }
0x27: {  	s1 =	sld [smem:$0x3FAF]  }
0x28: {  	s2 =	sld [smem:$0x3FB0]  }
0x29: {  	s4 =	sld [smem:$0x3FB2]  }
0x2a: {  	p0 =	seq.s32 s5, $0x0;
	s5 =	sld [smem:$0x3FB3]  }
0x2b: {  	s6 =	sld [smem:$0x3FB4]  }
0x2c: {  	s7 =	sld [smem:$0x3FB5]  }
0x2d: {  	s3 =	simm.s32 $0x108;
	s8 =	sld [smem:$0x3FB6]  }
0x2e: {  	s3 =	simm.s32 @!p0 $0x1082;
	s9 =	sld [smem:$0x3FB7]  }
0x2f: {  	lr =	sadd.s32 s0, s3;
	s0 =	sld [smem:$0x3FAE]  }
0x30: {  	s3 =	sld [smem:$0x3FB1]  }
0x31: {  	[smem:$0x3FBA] =	sst s10  }
0x32: {  	s10 =	sld [smem:$0x3FB8];
	_ =	sdelay $0x3  }
0x33: {  	p0 =	seq.s32 s10, $0x1;
	s10 =	sld [smem:$0x3FBA];
	_ =	sdelay $0x3  }
0x34: {  	[smem:$0x3FBA] =	sst s10  }
0x35: {  	s10 =	sld [smem:$0x3FB9];
	_ =	sdelay $0x3  }
0x36: {  	p1 =	seq.s32 s10, $0x1;
	s10 =	sld [smem:$0x3FBA];
	_ =	sdelay $0x3  }
0x37: {  	[smem:$0x3FBA] =	sst s10  }
0x38: {  	s10 =	sld [smem:$0x3FBB]  }
0x39: {  	_ = 	snop;
	(pc) =	sbr.ind lr, $3  }
0x3a: {  	_ = 	snop  }
0x3b: {  	_ = 	snop  }
0x3c: {  	p2 =	seq.s32 s10, $0x1;
	s10 =	sld [smem:$0x3FBA]  }
0x3d: {  	_ =	shalt  }
0x3e: {  	_ =	shalt  }
0x3f: {  	_ =	shalt  }
0x40: {  	_ =	shalt  }
0x41: {  	_ =	shalt  }
0x42: {  	_ =	shalt  }
0x43: {  	_ =	shalt  }
0x44: {  	_ =	shalt  }
0x45: {  	_ =	shalt  }
0x46: {  	_ =	shalt  }
0x47: {  	_ =	shalt  }
0x48: {  	_ =	shalt  }
0x49: {  	_ =	shalt  }
0x4a: {  	_ =	shalt  }
0x4b: {  	_ =	shalt  }
0x4c: {  	_ =	shalt  }
0x4d: {  	_ =	shalt  }
0x4e: {  	_ =	shalt  }
0x4f: {  	_ =	shalt  }
0x50: {  	_ =	shalt  }
0x51: {  	_ =	shalt  }
0x52: {  	_ =	shalt  }
0x53: {  	_ =	shalt  }
0x54: {  	_ =	shalt  }
0x55: {  	_ =	shalt  }
0x56: {  	_ =	shalt  }
0x57: {  	_ =	shalt  }
0x58: {  	_ =	shalt  }
0x59: {  	_ =	shalt  }
0x5a: {  	_ =	shalt  }
0x5b: {  	_ =	shalt  }
0x5c: {  	_ =	shalt  }
0x5d: {  	_ =	shalt  }
0x5e: {  	_ =	shalt  }
0x5f: {  	_ =	shalt  }
0x60: {  	_ =	shalt  }
0x61: {  	_ =	shalt  }
0x62: {  	_ =	shalt  }
0x63: {  	_ =	shalt  }
0x64: {  	_ =	shalt  }
0x65: {  	_ =	shalt  }
0x66: {  	_ =	shalt  }
0x67: {  	_ =	shalt  }
0x68: {  	_ =	shalt  }
0x69: {  	_ =	shalt  }
0x6a: {  	_ =	shalt  }
0x6b: {  	_ =	shalt  }
0x6c: {  	_ =	shalt  }
0x6d: {  	_ =	shalt  }
0x6e: {  	_ =	shalt  }
0x6f: {  	_ =	shalt  }
0x70: {  	_ =	shalt  }
0x71: {  	_ =	shalt  }
0x72: {  	_ =	shalt  }
0x73: {  	_ =	shalt  }
0x74: {  	_ =	shalt  }
0x75: {  	_ =	shalt  }
0x76: {  	_ =	shalt  }
0x77: {  	_ =	shalt  }
0x78: {  	_ =	shalt  }
0x79: {  	_ =	shalt  }
0x7a: {  	_ =	shalt  }
0x7b: {  	_ =	shalt  }
0x7c: {  	_ =	shalt  }
0x7d: {  	_ =	shalt  }
0x7e: {  	_ =	shalt  }
0x7f: {  	_ =	shalt  }
0x80: {  	_ =	shalt  }
0x81: {  	_ =	shalt  }
0x82: {  	_ =	shalt  }
0x83: {  	_ =	shalt  }
0x84: {  	_ =	shalt  }
0x85: {  	_ =	shalt  }
0x86: {  	_ =	shalt  }
0x87: {  	_ =	shalt  }
.Lfunc_end0:
.L_simem_size_0:
called_computation_lowered:
.L_overlay_start_0:
0x88: {  	s2 =	sld [smem:$0x3FD9]  }
0x89: {  	s3 =	sld [smem:$0x3FFE];
	_ =	sdelay $0x1  }
0x8a: {  	s1 =	srdreg.scid  }
0x8b: {  	s0 =	sand.u32 $0x1, s1  }
0x8c: {  	s18 =	sshll.u32 s0, $0xA;
	s2 =	sadd.s32 s3, s2  }
0x8d: {  	s2 =	sadd.s32 s2, s18  }
0x8e: {  	[smem:$0x3FC6] =	sst s2  }
0x8f: {  	_ = 	snop  }
0x90: {  	s2 =	sld [smem:$0x3FC9]  }
0x91: {  	s19 =	sld [smem:$0x3FC8]  }
0x92: {  	s4 =	sld [smem:$0x3FD0];
	(tm) =	ssettm $0x1  }
0x93: {  	s5 =	sld [smem:$0x3FFB];
	_ =	sdelay $0x3  }
0x94: {  	_ =	strace s5  }
0x95: {  	s5 =	sld [smem:$0x3FFC];
	_ =	sdelay $0x3  }
0x96: {  	_ =	strace s5  }
0x97: {  	s5 =	sld [smem:$0x3FFD];
	_ =	sdelay $0x3  }
0x98: {  	_ =	strace s5  }
0x99: {  	_ =	strace $0x8FFFFFFF  }
0x9a: {  	s20 =	sld [smem:$0x3FDB];
	_ =	sdelay $0x1  }
0x9b: {  	s6 =	simm.s32 $_scs_section_size  }
0x9c: {  	s7 =	simm.s32 $_size__tile_overlayer_lowered;
	s8 =	simm.s32 $_tile_overlayer_lowered  }
0x9d: {  	s23 =	simm.s32 $0x1BFF;
	s22 =	sshll.u32 s8, $0x1;
	s5 =	sadd.s32 s6, s20  }
0x9e: {  	s9 =	simm.s32 $0x0;
	s21 =	sshll.u32 s7, $0x1;
	s7 =	sadd.s32 s22, s5  }
0x9f: {  	[timem:s9], [sflag:s23] =	dma.local [hbm:s7], s21  }
0xa0: {  	_ =	swait.ge [sflag:s23], s21  }
0xa1: {  	s6 =	ssub.s32 $0x0, s21;
	[sflag:s23] =	ssyncset.done $0x0  }
0xa2: {  	[sflag:s23] =	ssyncadd.s32 s6;
	_ =	sdelay $0x1  }
0xa3: {  	s24 =	simm.s32 $0x1B8B  }
0xa4: {  	_ =	swait.ge [sflag:s24], $0x1  }
0xa5: {  	[sflag:s24] =	ssyncset.done $0x0  }
0xa6: {  	s25 =	simm.s32 $0x1B8E;
	[sflag:s24] =	ssyncadd.s32 $0xFFFFFFFF  }
0xa7: {  	s26 =	simm.s32 $execute0_lowered;
	[smem:$0x3FD2] =	sst s25  }
0xa8: {  	s6 =	sshll.u32 s26, $0x1;
	_ =	strace $0x80000046;
	[dreg:$0x1] =	wrdreg $0xFFFFFFFF  }
0xa9: {  	s28 =	simm.s32 $_size_execute0_lowered;
	s5 =	sadd.s32 s5, s6;
	[dreg:$0x0] =	wrdreg $0x0  }
0xaa: {  	s6 =	sshll.u32 s28, $0x1;
	[dreg:$0x2] =	wrdreg s5  }
0xab: {  	[dreg:$0x3] =	wrdreg s6  }
0xac: {  	[dreg:$0x4] =	wrdreg $0xC0  }
0xad: {  	_ =	task [dreg:s9], $0x5FFFF  }
0xae: {  	[dreg:$0x1] =	wrdreg $0xFFFFFFFF  }
0xaf: {  	[dreg:$0x0] =	wrdreg $0x60  }
0xb0: {  	[dreg:$0x2] =	wrdreg s2  }
0xb1: {  	[dreg:$0x3] =	wrdreg s19  }
0xb2: {  	[dreg:$0x4] =	wrdreg s4  }
0xb3: {  	[dreg:$0x5] =	wrdreg $0x9  }
0xb4: {  	_ =	task.clear_ibuf [dreg:s9], $0x6FFFF;
	_ =	strace $0x90000046  }
0xb5: {  	s29 =	simm.s32 $0x9;
	_ =	strace $0x80000048  }
0xb6: {  	_ =	swait.ge [sflag:s29], $0x1  }
0xb7: {  	[sflag:s29] =	ssyncadd.s32 $0xFFFFFFFF  }
0xb8: {  	_ =	strace $0x90000048  }
0xb9: {  	_ =	sfence  }
0xba: {  	s30 =	sld [smem:$0x0];
	_ =	sdelay $0x2  }
0xbb: {  	s31 =	sshll.u32 s1, $0xD;
	s1 =	sshrl.u32 s1, $0x2  }
0xbc: {  	s3 =	sand.u32 $0x4000, s31;
	s1 =	sadd.s32 s1, s30  }
0xbd: {  	s0 =	sor.u32 s3, s0;
	s1 =	sshll.u32 s1, $0x11  }
0xbe: {  	s0 =	sor.u32 s1, s0  }
0xbf: {  	s0 =	sadd.s32 $0x8F2B, s0  }
0xc0: {  	[sflag:s0] =	ssyncadd.remote.s32 $0x1  }
0xc1: {  	_ =	sfence.sel $0xFFFF  }
0xc2: {  	[dreg:$0x0] =	wrdreg $0xFFFFFFFF;
	(pc) =	sbr.abs _section_cstart, $3  }
0xc3: {  	[dreg:$0x1] =	wrdreg $0xFFFFFFFF  }
0xc4: {  	_ =	task.clear_ibuf [dreg:s9], $0x2FFFF;
	_ =	strace $0x9FFFFFFF  }
0xc5: {  	(tm) =	ssettm $0x7FFFFFFF  }
tec
execute0_lowered:
.L_overlay_start_1:
0x0: {  	(tag) =	ssettag $0x1  }
0x1: {  	s1 =	rddreg [dreg:$0x0];
	s0 =	srdreg.scid  }
0x2: {  	s7 =	stileid.u32;
	s3 =	rddreg [dreg:$0x1]  }
0x3: {  	s4 =	rddreg [dreg:$0x2];
	s5 =	simm.s32 $0x0;
	s12 =	simm.s32 $0x1400  }
0x4: {  	s13 =	simm.s32 $0xC35000;
	s15 =	simm.s32 $0x1;
	s16 =	simm.s32 $0x3  }
0x5: {  	s17 =	simm.s32 $0xA000;
	s18 =	simm.s32 $0x2;
	s19 =	simm.s32 $0x4  }
0x6: {  	s20 =	simm.s32 $0x10400;
	s0 =	sand.u32 $0x1, s0;
	s2 =	sshll.u32 s7, $0x1  }
0x7: {  	s21 =	simm.s32 $0x5;
	s22 =	simm.s32 $0x6;
	s2 =	sor.u32 s0, s2  }
0x8: {  	s23 =	simm.s32 $0x0;
	[smem:$0x7FF] =	sst s5;
	s6 =	smul.u32 $0x4E, s2  }
.Ltmp0:
0x9: {  	s0 =	ssub.s32 $0x2, s0;
	s2 =	smin.u32 s2, $0x4;
	(pc) =	sbr.rel .LBB2_1-.Ltmp0, $4  }
0xa: {  	p0 =	slt.u32 s7, $0x2;
	s31 =	sshrl.u32 s0, $0x1;
	s6 =	sadd.s32 s2, s6  }
0xb: {  	s7 =	simm.s32 $0x4F;
	s0 =	ssub.s32 s0, s31;
	s10 =	smul.u32 $0x280, s6  }
0xc: {  	s7 =	simm.s32 @!p0 $0x4E;
	_ =	strace $0x80000047;
	s11 =	smax.u32 s0, $0x1  }
0xd: {  	s8 =	sadd.s32 s6, s7;
	s9 =	sadd.s32 s1, s10;
	s10 =	sadd.s32 s3, s10  }
.LBB2_11:
0xe: {  	s23 =	sadd.s32 $0x1, s23  }
0xf: {  	_ =	swait.ge [sflag:s21], $0x6400;
	p0 =	sne.s32 s23, s11  }
.Ltmp1:
0x10: {  	[sflag:s21] =	ssyncset.done $0x0;
	(pc) =	sbr.rel @!p0 .LBB2_12-.Ltmp1, $4  }
0x11: {  	[sflag:s21] =	ssyncadd.s32 $0xFFFF9C00  }
0x12: {  	_ =	swait.ge [sflag:s22], $0x6400  }
0x13: {  	[sflag:s22] =	ssyncset.done $0x0  }
0x14: {  	[sflag:s22] =	ssyncadd.s32 $0xFFFF9C00  }
.LBB2_1:
.Ltmp2:
0x15: {  	(pc) =	sbr.rel .LBB2_2-.Ltmp2, $4  }
0x16: {  	_ = 	snop  }
0x17: {  	[tilespmem:s5], [sflag:$0x1] =	stream.strided.gather [hbm4b:s9+s12], $0x2800, s13, s12, $0x38;
	[tilespmem:$0x16800] =	vst v63  }
0x18: {  	s0 =	simm.s32 $0x5000;
	s24 =	simm.s32 $0x0  }
0x19: {  	[tilespmem:s0], [sflag:$0x3] =	stream.strided.gather [hbm4b:s10+s12], $0x2800, s13, s12, $0x38;
	[tilespmem:$0x16800] =	vst v63  }
.LBB2_10:
0x1a: {  	s24 =	sadd.s32 $0x1, s24  }
0x1b: {  	p0 =	sne.s32 s24, $0x28  }
.Ltmp3:
0x1c: {  	_ = 	snop;
	(pc) =	sbr.rel @!p0 .LBB2_11-.Ltmp3, $1  }
0x1d: {  	_ =	sdelay $0x3  }
.LBB2_2:
0x1e: {  	s0 =	sshll.u32 s24, $0x1  }
0x1f: {  	p1 =	sge.u32 s0, s7  }
.Ltmp4:
0x20: {  	_ = 	snop;
	(pc) =	sbr.rel @p1 .LBB2_6-.Ltmp4, $4  }
0x21: {  	_ = 	snop  }
0x22: {  	s26 =	sadd.s32 s6, s0  }
0x23: {  	s25 =	sadd.s32 $0x1, s26  }
0x24: {  	p0 =	sge.u32 s25, s8  }
0x25: {  	s0 =	smul.u32 @!p0 $0x280, s25  }
0x26: {  	s28 =	simm.s32 @!p0 $0x1400  }
0x27: {  	s29 =	simm.s32 @!p0 $0xC35000;
	s30 =	simm.s32 @!p0 $0x2800;
	s2 =	sadd.s32 @!p0 s1, s0  }
0x28: {  	[tilespmem:s30], [sflag:$0x2] =	stream.strided.gather @!p0 [hbm4b:s2+s28], $0x2800, s29, s28, $0x38;
	[tilespmem:$0x16800] =	vst v63  }
0x29: {  	s0 =	sadd.s32 @!p0 s3, s0;
	s2 =	simm.s32 @!p0 $0x7800  }
0x2a: {  	[tilespmem:s2], [sflag:$0x4] =	stream.strided.gather @!p0 [hbm4b:s0+s28], $0x2800, s29, s28, $0x38;
	[tilespmem:$0x16800] =	vst v63  }
0x2b: {  	_ =	swait.ge [sflag:s15], $0x2800  }
0x2c: {  	[sflag:s15] =	ssyncset.done $0x0  }
0x2d: {  	[sflag:s15] =	ssyncadd.s32 $0xFFFFD800  }
0x2e: {  	_ =	swait.ge [sflag:s16], $0x2800  }
0x2f: {  	p1 =	seq.s32 s24, $0x0;
	[sflag:s16] =	ssyncset.done $0x0  }
0x30: {  	s0 =	simm.s32 @!p1 $0x5;
	[sflag:s16] =	ssyncadd.s32 $0xFFFFD800  }
0x31: {  	s14 =	simm.s32 $0x0;
	_ =	swait.ge @!p1 [sflag:s0], $0x6400  }
0x32: {  	s28 =	sand.u32 $0x70, s14;
	s29 =	sand.u32 $0x1C00, s14;
	[sflag:s0] =	ssyncset.done @!p1 $0x0  }
0x33: {  	s28 =	sor.u32 s28, s29;
	[sflag:s0] =	ssyncadd.s32 @!p1 $0xFFFF9C00  }
0x34: {  	v0 =	vld [tilespmem:s28+$0x5000]  }
0x35: {  	v8 =	vld [tilespmem:s28+$0x0]  }
0x36: {  	v9 =	vld [tilespmem:s28+$0x5180]  }
0x37: {  	v10 =	vld [tilespmem:s28+$0x6400]  }
0x38: {  	v14 =	vld [tilespmem:s28+$0x180]  }
0x39: {  	v13 =	vld [tilespmem:s28+$0x5100]  }
0x3a: {  	v12 =	vld [tilespmem:s28+$0x280]  }
0x3b: {  	v1 =	vld [tilespmem:s28+$0x5080]  }
0x3c: {  	v16 =	vld [tilespmem:s28+$0x300];
	v11 =	vmul.f32 v0, v8;
	v15 =	vmul.f32 v9, v8  }
0x3d: {  	s31 =	sor.u32 s14, s14;
	v18 =	vld [tilespmem:s28+$0x5300];
	v17 =	vmul.f32 v10, v8;
	v19 =	vmul.f32 v0, v14  }
0x3e: {  	s29 =	sor.u32 $0x380, s31;
	v20 =	vmul.f32 v9, v14;
	v21 =	vmul.f32 v13, v8  }
0x3f: {  	v24 =	vld [tilespmem:s29+$0x5000];
	v22 =	vmul.f32 v13, v14;
	v4 =	vmul.f32 v13, v12  }
0x40: {  	v2 =	vld [tilespmem:s28+$0x1400];
	v23 =	vmul.f32 v10, v12;
	v25 =	vmul.f32 v1, v8  }
0x41: {  	v3 =	vld [tilespmem:s28+$0x80];
	v26 =	vmul.f32 v1, v14;
	v27 =	vmul.f32 v0, v16  }
0x42: {  	v29 =	vld [tilespmem:s28+$0x5200];
	v28 =	vmul.f32 v18, v8;
	v6 =	vmul.f32 v9, v16  }
0x43: {  	v30 =	vld [tilespmem:s28+$0x100];
	v31 =	vmul.f32 v18, v16;
	v33 =	vmul.f32 v18, v12  }
0x44: {  	v32 =	vld [tilespmem:s28+$0x5280];
	v34 =	vmul.f32 v24, v8;
	v35 =	vmul.f32 v10, v16  }
0x45: {  	v37 =	vld [tilespmem:s29+$0x0];
	v36 =	vmul.f32 v24, v12;
	v38 =	vmul.f32 v18, v2  }
0x46: {  	v39 =	vmul.f32 v13, v3;
	v40 =	vmul.f32 v18, v3  }
0x47: {  	v42 =	vld [tilespmem:s28+$0x200];
	v41 =	vmul.f32 v29, v14;
	v43 =	vmul.f32 v18, v14  }
0x48: {  	v44 =	vmul.f32 v9, v30;
	v7 =	vmul.f32 v1, v16  }
0x49: {  	v45 =	vmul.f32 v32, v8;
	v46 =	vmul.f32 v29, v2  }
0x4a: {  	v47 =	vmul.f32 v29, v16;
	v48 =	vmul.f32 v29, v37  }
0x4b: {  	v29 =	vmul.f32 v29, v8;
	v49 =	vmul.f32 v32, v37  }
0x4c: {  	v50 =	vmul.f32 v10, v3;
	v10 =	vmul.f32 v10, v42  }
0x4d: {  	v51 =	vmul.f32 v9, v3;
	v52 =	vmul.f32 v0, v12  }
0x4e: {  	v55 =	vmul.f32 v18, v42;
	v56 =	vmul.f32 v24, v42  }
0x4f: {  	v60 =	vmul.f32 v18, v37;
	v61 =	vmul.f32 v13, v16  }
0x50: {  	v62 =	vmul.f32 v24, v37;
	v18 =	vmul.f32 v18, v30  }
0x51: {  	v57 =	vmul.f32 v0, v42;
	v58 =	vmul.f32 v0, v37  }
0x52: {  	v5 =	vmul.f32 $5.477225780e-01, v4;
	v4 =	vmul.f32 v1, v2  }
0x53: {  	v43 =	vmul.f32 $3.162277640e-01, v43;
	v35 =	vadd.f32 v35, v38;
	v38 =	vmul.f32 v24, v16  }
0x54: {  	v8 =	vadd.f32 v44, v22;
	v22 =	vmul.f32 v32, v16;
	v44 =	vmul.f32 v13, v30;
	[tilespmem:s28+$0xA180] =	vst v15  }
0x55: {  	v53 =	vsub.f32 v10, v31;
	v54 =	vadd.f32 v51, v26;
	[tilespmem:s28+$0xA100] =	vst v21;
	v40 =	vmul.f32 $3.162277640e-01, v40  }
0x56: {  	v10 =	vsub.f32 v10, v36;
	v41 =	vmul.f32 $7.745966910e-01, v41;
	[tilespmem:s28+$0xA000] =	vst v11;
	v21 =	vmul.f32 v13, v37  }
0x57: {  	[tilespmem:s28+$0xA280] =	vst v45;
	v45 =	vmul.f32 v32, v30;
	v18 =	vmul.f32 $6.324555270e-01, v18  }
0x58: {  	[tilespmem:s28+$0xA080] =	vst v25;
	v11 =	vmul.f32 $4.082483050e-01, v54;
	v10 =	vadd.f32 v10, v31;
	v31 =	vmul.f32 v24, v30  }
0x59: {  	[tilespmem:s28+$0xA300] =	vst v28;
	v16 =	vmul.f32 $8.164966110e-01, v44;
	v13 =	vmul.f32 $5.477225780e-01, v21  }
0x5a: {  	[tilespmem:s28+$0xA200] =	vst v29;
	v15 =	vsub.f32 v51, v44;
	v44 =	vmul.f32 $6.546536680e-01, v62;
	v21 =	vmul.f32 v1, v30  }
0x5b: {  	[tilespmem:s29+$0xA000] =	vst v34;
	v24 =	vmul.f32 v24, v3;
	v51 =	vmul.f32 v9, v12  }
0x5c: {  	[tilespmem:s28+$0xB400] =	vst v17;
	v17 =	vadd.f32 v56, v48;
	v54 =	vmul.f32 v1, v37;
	v56 =	vmul.f32 $5.345224740e-01, v35  }
0x5d: {  	[tilespmem:s28+$0xB580] =	vst v19;
	v62 =	vmul.f32 v32, v2;
	v15 =	vadd.f32 v15, v26;
	v26 =	vadd.f32 v36, v49  }
0x5e: {  	[tilespmem:s28+$0xCB00] =	vst v52;
	v63 =	vsub.f32 v10, v49;
	v49 =	vmul.f32 v32, v14;
	v19 =	vadd.f32 v39, v21  }
0x5f: {  	[tilespmem:s28+$0xC880] =	vst v20;
	v10 =	vadd.f32 v38, v60;
	v14 =	vmul.f32 $6.546536680e-01, v17;
	v21 =	vadd.f32 v33, v22  }
0x60: {  	[tilespmem:s28+$0xCB80] =	vst v27;
	v28 =	vadd.f32 v63, v46;
	v19 =	vmul.f32 $7.071067690e-01, v19;
	v20 =	vadd.f32 v24, v49  }
0x61: {  	[tilespmem:s28+$0xCA80] =	vst v57;
	v22 =	vmul.f32 $5.477225780e-01, v45;
	v59 =	vadd.f32 v51, v54;
	v60 =	vmul.f32 $6.324555270e-01, v61  }
0x62: {  	v17 =	vadd.f32 v53, v46;
	v28 =	vmul.f32 $4.472135900e-01, v28;
	[tilespmem:s28+$0xB700] =	vst v19;
	v19 =	vmul.f32 $5.477225780e-01, v20  }
0x63: {  	[tilespmem:s28+$0xDC00] =	vst v58;
	v22 =	vsub.f32 v40, v22;
	v61 =	vmul.f32 $5.477225780e-01, v59;
	v20 =	vsub.f32 v56, v44  }
0x64: {  	v17 =	vmul.f32 $5.345224740e-01, v17;
	[tilespmem:s28+$0xDE80] =	vst v28;
	v18 =	vsub.f32 v19, v18;
	v19 =	vmul.f32 $2.672612370e-01, v26  }
0x65: {  	v63 =	vmul.f32 $5.477225780e-01, v31;
	[tilespmem:s28+$0xF100] =	vst v20;
	v20 =	vadd.f32 v22, v41;
	v22 =	vmul.f32 $7.745966910e-01, v50  }
0x66: {  	v12 =	vmul.f32 v32, v12;
	[tilespmem:s28+$0xC980] =	vst v18;
	v17 =	vadd.f32 v17, v19;
	v18 =	vadd.f32 v23, v62  }
0x67: {  	[tilespmem:s28+$0xC900] =	vst v20;
	v20 =	vsub.f32 v22, v63;
	v22 =	vmul.f32 v9, v42;
	v23 =	vsub.f32 v61, v60  }
0x68: {  	v12 =	vmul.f32 $6.546536680e-01, v12;
	v9 =	vadd.f32 v55, v47;
	v19 =	vmul.f32 v0, v30;
	[tilespmem:s28+$0xF000] =	vst v17  }
0x69: {  	s30 =	simm.s32 $0x10;
	s29 =	simm.s32 $0x80;
	v17 =	vmul.f32 $6.546536680e-01, v18;
	v18 =	vadd.f32 v20, v43;
	v20 =	vmul.f32 $7.745966910e-01, v22;
	[tilespmem:s28+$0xDD80] =	vst v23  }
.LBB2_4:
0x6a: {  	s0 =	sand.u32 $0x70, s30;
	v15 =	vmul.f32 $5.773502590e-01, v15  }
0x6b: {  	s2 =	sand.u32 $0x1C00, s29;
	s31 =	sor.u32 s29, s30;
	v11 =	vadd.f32 v11, v16;
	v6 =	vmul.f32 $3.162277640e-01, v6;
	s14 =	smov.u32 s30;
	v7 =	vmul.f32 $3.162277640e-01, v7  }
0x6c: {  	v16 =	vmul.f32 $2.672612370e-01, v21;
	s2 =	sor.u32 s0, s2;
	s31 =	sor.u32 $0x380, s31;
	s0 =	sadd.s32 $0x10, s30;
	[tilespmem:s28+$0xB500] =	vst v19;
	v5 =	vsub.f32 v20, v5  }
0x6d: {  	v8 =	vmul.f32 $7.071067690e-01, v8;
	v4 =	vmul.f32 $7.745966910e-01, v4;
	v19 =	vld [tilespmem:s2+$0x5000];
	[tilespmem:s28+$0xB600] =	vst v15;
	v6 =	vsub.f32 v6, v13  }
0x6e: {  	p1 =	sne.s32 s30, $0x270;
	v10 =	vmul.f32 $2.672612370e-01, v10;
	v13 =	vld [tilespmem:s2+$0x0];
	[tilespmem:s28+$0xB780] =	vst v11;
	v5 =	vadd.f32 v5, v7;
	v7 =	vmul.f32 $5.345224740e-01, v9  }
0x6f: {  	v11 =	vmul.f32 v0, v3;
	v9 =	vld [tilespmem:s2+$0x5180];
	[tilespmem:s28+$0xC800] =	vst v8;
	v4 =	vadd.f32 v6, v4;
	v6 =	vsub.f32 v14, v16  }
0x70: {  	v3 =	vmul.f32 v1, v3;
	v8 =	vsub.f32 v17, v10;
	v15 =	vld [tilespmem:s2+$0x6400];
	[tilespmem:s28+$0xCA00] =	vst v18;
	v7 =	vsub.f32 v7, v12  }
0x71: {  	v2 =	vmul.f32 v0, v2;
	v14 =	vld [tilespmem:s2+$0x180];
	[tilespmem:s28+$0xDD00] =	vst v5  }
0x72: {  	v10 =	vld [tilespmem:s2+$0x5100];
	[tilespmem:s28+$0xB480] =	vst v11;
	v0 =	vmov v19  }
0x73: {  	v12 =	vld [tilespmem:s2+$0x280];
	v11 =	vmul.f32 v0, v13;
	[tilespmem:s28+$0xDE00] =	vst v4  }
0x74: {  	v1 =	vld [tilespmem:s2+$0x5080];
	v16 =	vmul.f32 v9, v13;
	[tilespmem:s28+$0xDC80] =	vst v2  }
0x75: {  	v21 =	vld [tilespmem:s2+$0x300];
	v22 =	vmul.f32 v15, v13;
	[tilespmem:s28+$0xB680] =	vst v3  }
0x76: {  	v23 =	vld [tilespmem:s2+$0x5300];
	v24 =	vmul.f32 v0, v14;
	v25 =	vmul.f32 v9, v14;
	[tilespmem:s28+$0xDF80] =	vst v6  }
0x77: {  	v2 =	vld [tilespmem:s2+$0x1400];
	v26 =	vmul.f32 v10, v13;
	v27 =	vmul.f32 v10, v14;
	[tilespmem:s28+$0xDF00] =	vst v7  }
0x78: {  	v3 =	vld [tilespmem:s2+$0x80];
	v4 =	vmul.f32 v10, v12;
	v17 =	vmul.f32 v15, v12;
	[tilespmem:s28+$0xF080] =	vst v8;
	s28 =	smov.u32 s2  }
0x79: {  	v28 =	vld [tilespmem:s31+$0x5000];
	v8 =	vmul.f32 v1, v13  }
0x7a: {  	v30 =	vmul.f32 v1, v14;
	v29 =	vld [tilespmem:s28+$0x5200];
	v31 =	vmul.f32 v0, v21  }
0x7b: {  	v5 =	vmul.f32 $5.477225780e-01, v4;
	v19 =	vld [tilespmem:s28+$0x5280];
	v32 =	vmul.f32 v23, v13  }
0x7c: {  	v6 =	vmul.f32 v9, v21;
	v33 =	vmul.f32 v23, v21;
	v18 =	vld [tilespmem:s28+$0x100]  }
0x7d: {  	v34 =	vmul.f32 v23, v12;
	v4 =	vmul.f32 v1, v2;
	v20 =	vld [tilespmem:s28+$0x200]  }
0x7e: {  	v7 =	vmul.f32 v15, v21;
	v35 =	vmul.f32 v28, v13  }
0x7f: {  	v38 =	vmul.f32 v23, v2;
	v37 =	vmul.f32 v28, v12;
	v36 =	vld [tilespmem:s31+$0x0]  }
0x80: {  	v39 =	vmul.f32 v10, v3;
	[tilespmem:s28+$0xA180] =	vst v16;
	v16 =	vmul.f32 v23, v3  }
0x81: {  	v40 =	vmul.f32 v23, v14;
	v38 =	vadd.f32 v7, v38;
	[tilespmem:s28+$0xA100] =	vst v26;
	v26 =	vmul.f32 v29, v14  }
0x82: {  	v7 =	vmul.f32 v1, v21;
	[tilespmem:s28+$0xA000] =	vst v11;
	v11 =	vmul.f32 v9, v18  }
0x83: {  	v42 =	vmul.f32 v29, v2;
	v41 =	vmul.f32 v19, v13;
	[tilespmem:s28+$0xA080] =	vst v8  }
0x84: {  	v8 =	vadd.f32 v11, v27;
	v27 =	vmul.f32 v29, v21;
	v43 =	vmul.f32 v29, v36  }
0x85: {  	v11 =	vmul.f32 v29, v13;
	v13 =	vmul.f32 v19, v36;
	[tilespmem:s28+$0xA280] =	vst v41  }
0x86: {  	v29 =	vmul.f32 v15, v3;
	[tilespmem:s28+$0xA300] =	vst v32;
	v32 =	vmul.f32 $3.162277640e-01, v40  }
0x87: {  	v40 =	vmul.f32 v28, v21;
	[tilespmem:s28+$0xA200] =	vst v11;
	v11 =	vmul.f32 v15, v20  }
0x88: {  	v41 =	vadd.f32 v37, v13;
	v15 =	vmul.f32 v9, v3;
	[tilespmem:s31+$0xA000] =	vst v35;
	v35 =	vmul.f32 v19, v21  }
0x89: {  	v44 =	vmul.f32 v0, v12;
	[tilespmem:s28+$0xB400] =	vst v22;
	v22 =	vmul.f32 v10, v18;
	v45 =	vsub.f32 v11, v33  }
0x8a: {  	v46 =	vmul.f32 v23, v20;
	v47 =	vmul.f32 v28, v20;
	[tilespmem:s28+$0xB580] =	vst v24;
	v24 =	vadd.f32 v15, v30  }
0x8b: {  	v48 =	vmul.f32 $3.162277640e-01, v16;
	v26 =	vmul.f32 $7.745966910e-01, v26;
	v37 =	vsub.f32 v11, v37;
	[tilespmem:s28+$0xCB00] =	vst v44  }
0x8c: {  	v15 =	vsub.f32 v15, v22;
	v11 =	vmul.f32 $4.082483050e-01, v24;
	[tilespmem:s28+$0xC880] =	vst v25;
	v24 =	vmul.f32 v28, v18  }
0x8d: {  	v16 =	vmul.f32 $8.164966110e-01, v22;
	v22 =	vmul.f32 v10, v36;
	v25 =	vadd.f32 v37, v33;
	[tilespmem:s28+$0xCB80] =	vst v31  }
0x8e: {  	v15 =	vadd.f32 v15, v30;
	v30 =	vmul.f32 v23, v36;
	v31 =	vmul.f32 v28, v36  }
0x8f: {  	v33 =	vmul.f32 v10, v21;
	v23 =	vmul.f32 v23, v18;
	v21 =	vsub.f32 v25, v13  }
0x90: {  	v13 =	vmul.f32 $5.477225780e-01, v22;
	v10 =	vadd.f32 v40, v30;
	v22 =	vmul.f32 $6.546536680e-01, v31  }
0x91: {  	v25 =	vmul.f32 v1, v18;
	v30 =	vmul.f32 v19, v18;
	v21 =	vadd.f32 v21, v42  }
0x92: {  	v28 =	vmul.f32 v28, v3;
	v31 =	vmul.f32 v19, v14;
	v14 =	vadd.f32 v47, v43  }
0x93: {  	v37 =	vmul.f32 v9, v12;
	v25 =	vadd.f32 v39, v25;
	v21 =	vmul.f32 $4.472135900e-01, v21  }
0x94: {  	v40 =	vadd.f32 v45, v42;
	v39 =	vmul.f32 v1, v36;
	v14 =	vmul.f32 $6.546536680e-01, v14  }
0x95: {  	v28 =	vadd.f32 v28, v31;
	v31 =	vmul.f32 $5.345224740e-01, v38;
	v25 =	vmul.f32 $7.071067690e-01, v25;
	[tilespmem:s28+$0xDE80] =	vst v21  }
0x96: {  	v36 =	vmul.f32 v0, v36;
	v38 =	vmul.f32 v0, v20;
	v21 =	vadd.f32 v34, v35  }
0x97: {  	v33 =	vmul.f32 $6.324555270e-01, v33;
	[tilespmem:s28+$0xB700] =	vst v25;
	v25 =	vmul.f32 $5.477225780e-01, v30;
	v30 =	vadd.f32 v37, v39  }
0x98: {  	v23 =	vmul.f32 $6.324555270e-01, v23;
	v28 =	vmul.f32 $5.477225780e-01, v28;
	v22 =	vsub.f32 v31, v22;
	[tilespmem:s28+$0xCA80] =	vst v38  }
0x99: {  	v31 =	vmul.f32 v19, v2;
	v25 =	vsub.f32 v48, v25;
	[tilespmem:s28+$0xDC00] =	vst v36;
	v30 =	vmul.f32 $5.477225780e-01, v30  }
0x9a: {  	v23 =	vsub.f32 v28, v23;
	v28 =	vmul.f32 $5.345224740e-01, v40;
	v34 =	vmul.f32 $2.672612370e-01, v41;
	[tilespmem:s28+$0xF100] =	vst v22  }
.Ltmp5:
0x9b: {  	v24 =	vmul.f32 $5.477225780e-01, v24;
	v22 =	vadd.f32 v25, v26;
	v25 =	vmul.f32 $7.745966910e-01, v29;
	(pc) =	sbr.rel @p1 .LBB2_4-.Ltmp5, $4  }
0x9c: {  	v12 =	vmul.f32 v19, v12;
	v17 =	vadd.f32 v17, v31;
	v19 =	vadd.f32 v28, v34;
	[tilespmem:s28+$0xC980] =	vst v23  }
0x9d: {  	v20 =	vmul.f32 v9, v20;
	v23 =	vsub.f32 v30, v33;
	[tilespmem:s28+$0xC900] =	vst v22;
	v22 =	vsub.f32 v25, v24  }
0x9e: {  	v12 =	vmul.f32 $6.546536680e-01, v12;
	v9 =	vadd.f32 v46, v27;
	v17 =	vmul.f32 $6.546536680e-01, v17;
	[tilespmem:s28+$0xF000] =	vst v19  }
0x9f: {  	s29 =	sadd.s32 $0x80, s29;
	s30 =	smov.u32 s0;
	v20 =	vmul.f32 $7.745966910e-01, v20;
	v19 =	vmul.f32 v0, v18;
	v18 =	vadd.f32 v22, v32;
	[tilespmem:s28+$0xDD80] =	vst v23  }
0xa0: {  	_ = 	snop  }
0xa1: {  	v15 =	vmul.f32 $5.773502590e-01, v15;
	[tilespmem:s28+$0xB500] =	vst v19  }
0xa2: {  	v11 =	vadd.f32 v11, v16;
	[tilespmem:s28+$0xCA00] =	vst v18  }
0xa3: {  	v8 =	vmul.f32 $7.071067690e-01, v8;
	[tilespmem:s28+$0xB600] =	vst v15  }
0xa4: {  	v56 =	vmul.f32 v0, v3;
	[tilespmem:s28+$0xB780] =	vst v11  }
0xa5: {  	v57 =	vmul.f32 $2.672612370e-01, v21;
	v58 =	vmul.f32 v0, v2;
	[tilespmem:s28+$0xC800] =	vst v8  }
0xa6: {  	v59 =	vmul.f32 $5.345224740e-01, v9;
	v1 =	vmul.f32 v1, v3;
	[tilespmem:s28+$0xB480] =	vst v56  }
0xa7: {  	v6 =	vmul.f32 $3.162277640e-01, v6;
	v60 =	vmul.f32 $2.672612370e-01, v10;
	v61 =	vsub.f32 v14, v57;
	[tilespmem:s28+$0xDC80] =	vst v58  }
0xa8: {  	v7 =	vmul.f32 $3.162277640e-01, v7;
	v5 =	vsub.f32 v20, v5;
	v62 =	vsub.f32 v59, v12;
	[tilespmem:s28+$0xB680] =	vst v1  }
0xa9: {  	v4 =	vmul.f32 $7.745966910e-01, v4;
	v6 =	vsub.f32 v6, v13;
	v63 =	vsub.f32 v17, v60;
	[tilespmem:s28+$0xDF80] =	vst v61  }
0xaa: {  	v5 =	vadd.f32 v5, v7;
	[tilespmem:s28+$0xDF00] =	vst v62  }
0xab: {  	s0 =	smul.u32 $0x280, s26;
	v4 =	vadd.f32 v6, v4;
	[tilespmem:s28+$0xF080] =	vst v63  }
0xac: {  	[tilespmem:s28+$0xDD00] =	vst v5  }
0xad: {  	s0 =	sadd.s32 s4, s0;
	[tilespmem:s28+$0xDE00] =	vst v4  }
0xae: {  	[hbm4b:s0+s12] =	stream.strided.scatter [tilespmem:s17], [sflag:$0x5], $0x6400, s13, s12, $0x38;
	[tilespmem:$0x16800] =	vst v63  }
.LBB2_6:
0xaf: {  	s0 =	sadd.s32 $0x2, s26  }
0xb0: {  	p1 =	sge.u32 s0, s8  }
0xb1: {  	s0 =	smul.u32 @!p1 $0x280, s0  }
.Ltmp6:
0xb2: {  	s14 =	simm.s32 @!p1 $0x1400;
	(pc) =	sbr.rel @p0 .LBB2_10-.Ltmp6, $4  }
0xb3: {  	s26 =	simm.s32 @!p1 $0xC35000;
	s28 =	simm.s32 @!p1 $0x0;
	s2 =	sadd.s32 @!p1 s1, s0  }
0xb4: {  	[tilespmem:s28], [sflag:$0x1] =	stream.strided.gather @!p1 [hbm4b:s2+s14], $0x2800, s26, s14, $0x38;
	[tilespmem:$0x16800] =	vst v63  }
0xb5: {  	s0 =	sadd.s32 @!p1 s3, s0;
	s2 =	simm.s32 @!p1 $0x5000  }
0xb6: {  	[tilespmem:s2], [sflag:$0x3] =	stream.strided.gather @!p1 [hbm4b:s0+s14], $0x2800, s26, s14, $0x38;
	[tilespmem:$0x16800] =	vst v63  }
0xb7: {  	_ =	swait.ge [sflag:s18], $0x2800  }
0xb8: {  	[sflag:s18] =	ssyncset.done $0x0  }
0xb9: {  	[sflag:s18] =	ssyncadd.s32 $0xFFFFD800  }
0xba: {  	_ =	swait.ge [sflag:s19], $0x2800  }
0xbb: {  	p0 =	seq.s32 s24, $0x0;
	[sflag:s19] =	ssyncset.done $0x0  }
0xbc: {  	s0 =	simm.s32 @!p0 $0x6;
	[sflag:s19] =	ssyncadd.s32 $0xFFFFD800  }
0xbd: {  	s2 =	simm.s32 $0x0;
	_ =	swait.ge @!p0 [sflag:s0], $0x6400  }
0xbe: {  	s14 =	sand.u32 $0x70, s2;
	s26 =	sand.u32 $0x1C00, s2;
	[sflag:s0] =	ssyncset.done @!p0 $0x0  }
0xbf: {  	s26 =	sor.u32 s14, s26;
	[sflag:s0] =	ssyncadd.s32 @!p0 $0xFFFF9C00  }
0xc0: {  	v0 =	vld [tilespmem:s26+$0x7800]  }
0xc1: {  	v8 =	vld [tilespmem:s26+$0x2800]  }
0xc2: {  	v9 =	vld [tilespmem:s26+$0x7980]  }
0xc3: {  	v10 =	vld [tilespmem:s26+$0x8C00]  }
0xc4: {  	v14 =	vld [tilespmem:s26+$0x2980]  }
0xc5: {  	v13 =	vld [tilespmem:s26+$0x7900]  }
0xc6: {  	v12 =	vld [tilespmem:s26+$0x2A80]  }
0xc7: {  	v1 =	vld [tilespmem:s26+$0x7880]  }
0xc8: {  	v16 =	vld [tilespmem:s26+$0x2B00];
	v11 =	vmul.f32 v0, v8;
	v15 =	vmul.f32 v9, v8  }
0xc9: {  	s30 =	sor.u32 s2, s2;
	v18 =	vld [tilespmem:s26+$0x7B00];
	v17 =	vmul.f32 v10, v8;
	v19 =	vmul.f32 v0, v14  }
0xca: {  	s28 =	sor.u32 $0x380, s30;
	v20 =	vmul.f32 v9, v14;
	v21 =	vmul.f32 v13, v8  }
0xcb: {  	v24 =	vld [tilespmem:s28+$0x7800];
	v22 =	vmul.f32 v13, v14;
	v4 =	vmul.f32 v13, v12  }
0xcc: {  	v2 =	vld [tilespmem:s26+$0x3C00];
	v23 =	vmul.f32 v10, v12;
	v25 =	vmul.f32 v1, v8  }
0xcd: {  	v3 =	vld [tilespmem:s26+$0x2880];
	v26 =	vmul.f32 v1, v14;
	v27 =	vmul.f32 v0, v16  }
0xce: {  	v29 =	vld [tilespmem:s26+$0x7A00];
	v28 =	vmul.f32 v18, v8;
	v6 =	vmul.f32 v9, v16  }
0xcf: {  	v30 =	vld [tilespmem:s26+$0x2900];
	v31 =	vmul.f32 v18, v16;
	v33 =	vmul.f32 v18, v12  }
0xd0: {  	v32 =	vld [tilespmem:s26+$0x7A80];
	v34 =	vmul.f32 v24, v8;
	v35 =	vmul.f32 v10, v16  }
0xd1: {  	v37 =	vld [tilespmem:s28+$0x2800];
	v36 =	vmul.f32 v24, v12;
	v38 =	vmul.f32 v18, v2  }
0xd2: {  	v39 =	vmul.f32 v13, v3;
	v40 =	vmul.f32 v18, v3  }
0xd3: {  	v42 =	vld [tilespmem:s26+$0x2A00];
	v41 =	vmul.f32 v29, v14;
	v43 =	vmul.f32 v18, v14  }
0xd4: {  	v44 =	vmul.f32 v9, v30;
	v7 =	vmul.f32 v1, v16  }
0xd5: {  	v45 =	vmul.f32 v32, v8;
	v46 =	vmul.f32 v29, v2  }
0xd6: {  	v47 =	vmul.f32 v29, v16;
	v48 =	vmul.f32 v29, v37  }
0xd7: {  	v29 =	vmul.f32 v29, v8;
	v49 =	vmul.f32 v32, v37  }
0xd8: {  	v50 =	vmul.f32 v10, v3;
	v10 =	vmul.f32 v10, v42  }
0xd9: {  	v51 =	vmul.f32 v9, v3;
	v52 =	vmul.f32 v0, v12  }
0xda: {  	v55 =	vmul.f32 v18, v42;
	v56 =	vmul.f32 v24, v42  }
0xdb: {  	v60 =	vmul.f32 v18, v37;
	v61 =	vmul.f32 v13, v16  }
0xdc: {  	v62 =	vmul.f32 v24, v37;
	v18 =	vmul.f32 v18, v30  }
0xdd: {  	v57 =	vmul.f32 v0, v42;
	v58 =	vmul.f32 v0, v37  }
0xde: {  	v5 =	vmul.f32 $5.477225780e-01, v4;
	v4 =	vmul.f32 v1, v2  }
0xdf: {  	v43 =	vmul.f32 $3.162277640e-01, v43;
	v35 =	vadd.f32 v35, v38;
	v38 =	vmul.f32 v24, v16  }
0xe0: {  	v8 =	vadd.f32 v44, v22;
	v22 =	vmul.f32 v32, v16;
	v44 =	vmul.f32 v13, v30;
	[tilespmem:s26+$0x10580] =	vst v15  }
0xe1: {  	v53 =	vsub.f32 v10, v31;
	v54 =	vadd.f32 v51, v26;
	[tilespmem:s26+$0x10500] =	vst v21;
	v40 =	vmul.f32 $3.162277640e-01, v40  }
0xe2: {  	v10 =	vsub.f32 v10, v36;
	v41 =	vmul.f32 $7.745966910e-01, v41;
	[tilespmem:s26+$0x10400] =	vst v11;
	v21 =	vmul.f32 v13, v37  }
0xe3: {  	[tilespmem:s26+$0x10680] =	vst v45;
	v45 =	vmul.f32 v32, v30;
	v18 =	vmul.f32 $6.324555270e-01, v18  }
0xe4: {  	[tilespmem:s26+$0x10480] =	vst v25;
	v11 =	vmul.f32 $4.082483050e-01, v54;
	v10 =	vadd.f32 v10, v31;
	v31 =	vmul.f32 v24, v30  }
0xe5: {  	[tilespmem:s26+$0x10700] =	vst v28;
	v16 =	vmul.f32 $8.164966110e-01, v44;
	v13 =	vmul.f32 $5.477225780e-01, v21  }
0xe6: {  	[tilespmem:s26+$0x10600] =	vst v29;
	v15 =	vsub.f32 v51, v44;
	v44 =	vmul.f32 $6.546536680e-01, v62;
	v21 =	vmul.f32 v1, v30  }
0xe7: {  	[tilespmem:s28+$0x10400] =	vst v34;
	v24 =	vmul.f32 v24, v3;
	v51 =	vmul.f32 v9, v12  }
0xe8: {  	[tilespmem:s26+$0x11800] =	vst v17;
	v17 =	vadd.f32 v56, v48;
	v54 =	vmul.f32 v1, v37;
	v56 =	vmul.f32 $5.345224740e-01, v35  }
0xe9: {  	[tilespmem:s26+$0x11980] =	vst v19;
	v62 =	vmul.f32 v32, v2;
	v15 =	vadd.f32 v15, v26;
	v26 =	vadd.f32 v36, v49  }
0xea: {  	[tilespmem:s26+$0x12F00] =	vst v52;
	v63 =	vsub.f32 v10, v49;
	v49 =	vmul.f32 v32, v14;
	v19 =	vadd.f32 v39, v21  }
0xeb: {  	[tilespmem:s26+$0x12C80] =	vst v20;
	v10 =	vadd.f32 v38, v60;
	v14 =	vmul.f32 $6.546536680e-01, v17;
	v21 =	vadd.f32 v33, v22  }
0xec: {  	[tilespmem:s26+$0x12F80] =	vst v27;
	v28 =	vadd.f32 v63, v46;
	v19 =	vmul.f32 $7.071067690e-01, v19;
	v20 =	vadd.f32 v24, v49  }
0xed: {  	[tilespmem:s26+$0x12E80] =	vst v57;
	v22 =	vmul.f32 $5.477225780e-01, v45;
	v59 =	vadd.f32 v51, v54;
	v60 =	vmul.f32 $6.324555270e-01, v61  }
0xee: {  	v17 =	vadd.f32 v53, v46;
	v28 =	vmul.f32 $4.472135900e-01, v28;
	[tilespmem:s26+$0x11B00] =	vst v19;
	v19 =	vmul.f32 $5.477225780e-01, v20  }
0xef: {  	[tilespmem:s26+$0x14000] =	vst v58;
	v22 =	vsub.f32 v40, v22;
	v61 =	vmul.f32 $5.477225780e-01, v59;
	v20 =	vsub.f32 v56, v44  }
0xf0: {  	v17 =	vmul.f32 $5.345224740e-01, v17;
	[tilespmem:s26+$0x14280] =	vst v28;
	v18 =	vsub.f32 v19, v18;
	v19 =	vmul.f32 $2.672612370e-01, v26  }
0xf1: {  	v63 =	vmul.f32 $5.477225780e-01, v31;
	[tilespmem:s26+$0x15500] =	vst v20;
	v20 =	vadd.f32 v22, v41;
	v22 =	vmul.f32 $7.745966910e-01, v50  }
0xf2: {  	v12 =	vmul.f32 v32, v12;
	[tilespmem:s26+$0x12D80] =	vst v18;
	v17 =	vadd.f32 v17, v19;
	v18 =	vadd.f32 v23, v62  }
0xf3: {  	[tilespmem:s26+$0x12D00] =	vst v20;
	v20 =	vsub.f32 v22, v63;
	v22 =	vmul.f32 v9, v42;
	v23 =	vsub.f32 v61, v60  }
0xf4: {  	v12 =	vmul.f32 $6.546536680e-01, v12;
	v9 =	vadd.f32 v55, v47;
	v19 =	vmul.f32 v0, v30;
	[tilespmem:s26+$0x15400] =	vst v17  }
0xf5: {  	s31 =	simm.s32 $0x10;
	s28 =	simm.s32 $0x80;
	v17 =	vmul.f32 $6.546536680e-01, v18;
	v18 =	vadd.f32 v20, v43;
	v20 =	vmul.f32 $7.745966910e-01, v22;
	[tilespmem:s26+$0x14180] =	vst v23  }
.LBB2_8:
0xf6: {  	s0 =	sand.u32 $0x70, s31;
	v15 =	vmul.f32 $5.773502590e-01, v15  }
0xf7: {  	s2 =	sand.u32 $0x1C00, s28;
	s14 =	sor.u32 s28, s31;
	v11 =	vadd.f32 v11, v16;
	v6 =	vmul.f32 $3.162277640e-01, v6;
	s29 =	smov.u32 s31;
	v7 =	vmul.f32 $3.162277640e-01, v7  }
0xf8: {  	v16 =	vmul.f32 $2.672612370e-01, v21;
	s2 =	sor.u32 s0, s2;
	s30 =	sor.u32 $0x380, s14;
	s29 =	sadd.s32 $0x10, s31;
	[tilespmem:s26+$0x11900] =	vst v19;
	v5 =	vsub.f32 v20, v5  }
0xf9: {  	v8 =	vmul.f32 $7.071067690e-01, v8;
	v4 =	vmul.f32 $7.745966910e-01, v4;
	v19 =	vld [tilespmem:s2+$0x7800];
	[tilespmem:s26+$0x11A00] =	vst v15;
	v6 =	vsub.f32 v6, v13  }
0xfa: {  	v10 =	vmul.f32 $2.672612370e-01, v10;
	v13 =	vld [tilespmem:s2+$0x2800];
	[tilespmem:s26+$0x11B80] =	vst v11;
	v5 =	vadd.f32 v5, v7;
	v7 =	vmul.f32 $5.345224740e-01, v9  }
0xfb: {  	p0 =	sne.s32 s31, $0x270;
	v11 =	vmul.f32 v0, v3;
	v9 =	vld [tilespmem:s2+$0x7980];
	[tilespmem:s26+$0x12C00] =	vst v8;
	v4 =	vadd.f32 v6, v4;
	v6 =	vsub.f32 v14, v16  }
0xfc: {  	v3 =	vmul.f32 v1, v3;
	v8 =	vsub.f32 v17, v10;
	v15 =	vld [tilespmem:s2+$0x8C00];
	[tilespmem:s26+$0x12E00] =	vst v18;
	v7 =	vsub.f32 v7, v12  }
0xfd: {  	v2 =	vmul.f32 v0, v2;
	v14 =	vld [tilespmem:s2+$0x2980];
	[tilespmem:s26+$0x14100] =	vst v5  }
0xfe: {  	v10 =	vld [tilespmem:s2+$0x7900];
	[tilespmem:s26+$0x11880] =	vst v11;
	v0 =	vmov v19  }
0xff: {  	v12 =	vld [tilespmem:s2+$0x2A80];
	v11 =	vmul.f32 v0, v13;
	[tilespmem:s26+$0x14200] =	vst v4  }
0x100: {  	v1 =	vld [tilespmem:s2+$0x7880];
	v16 =	vmul.f32 v9, v13;
	[tilespmem:s26+$0x14080] =	vst v2  }
0x101: {  	v21 =	vld [tilespmem:s2+$0x2B00];
	v22 =	vmul.f32 v15, v13;
	[tilespmem:s26+$0x11A80] =	vst v3  }
0x102: {  	v23 =	vld [tilespmem:s2+$0x7B00];
	v24 =	vmul.f32 v0, v14;
	v25 =	vmul.f32 v9, v14;
	[tilespmem:s26+$0x14380] =	vst v6  }
0x103: {  	v2 =	vld [tilespmem:s2+$0x3C00];
	v26 =	vmul.f32 v10, v13;
	v27 =	vmul.f32 v10, v14;
	[tilespmem:s26+$0x14300] =	vst v7  }
0x104: {  	v3 =	vld [tilespmem:s2+$0x2880];
	v4 =	vmul.f32 v10, v12;
	v17 =	vmul.f32 v15, v12;
	[tilespmem:s26+$0x15480] =	vst v8;
	s26 =	smov.u32 s2  }
0x105: {  	v28 =	vld [tilespmem:s30+$0x7800];
	v8 =	vmul.f32 v1, v13  }
0x106: {  	v30 =	vmul.f32 v1, v14;
	v29 =	vld [tilespmem:s26+$0x7A00];
	v31 =	vmul.f32 v0, v21  }
0x107: {  	v5 =	vmul.f32 $5.477225780e-01, v4;
	v19 =	vld [tilespmem:s26+$0x7A80];
	v32 =	vmul.f32 v23, v13  }
0x108: {  	v6 =	vmul.f32 v9, v21;
	v33 =	vmul.f32 v23, v21;
	v18 =	vld [tilespmem:s26+$0x2900]  }
0x109: {  	v34 =	vmul.f32 v23, v12;
	v4 =	vmul.f32 v1, v2;
	v20 =	vld [tilespmem:s26+$0x2A00]  }
0x10a: {  	v7 =	vmul.f32 v15, v21;
	v35 =	vmul.f32 v28, v13  }
0x10b: {  	v38 =	vmul.f32 v23, v2;
	v37 =	vmul.f32 v28, v12;
	v36 =	vld [tilespmem:s30+$0x2800]  }
0x10c: {  	v39 =	vmul.f32 v10, v3;
	[tilespmem:s26+$0x10580] =	vst v16;
	v16 =	vmul.f32 v23, v3  }
0x10d: {  	v40 =	vmul.f32 v23, v14;
	v38 =	vadd.f32 v7, v38;
	[tilespmem:s26+$0x10500] =	vst v26;
	v26 =	vmul.f32 v29, v14  }
0x10e: {  	v7 =	vmul.f32 v1, v21;
	[tilespmem:s26+$0x10400] =	vst v11;
	v11 =	vmul.f32 v9, v18  }
0x10f: {  	v42 =	vmul.f32 v29, v2;
	v41 =	vmul.f32 v19, v13;
	[tilespmem:s26+$0x10480] =	vst v8  }
0x110: {  	v8 =	vadd.f32 v11, v27;
	v27 =	vmul.f32 v29, v21;
	v43 =	vmul.f32 v29, v36  }
0x111: {  	v11 =	vmul.f32 v29, v13;
	v13 =	vmul.f32 v19, v36;
	[tilespmem:s26+$0x10680] =	vst v41  }
0x112: {  	v29 =	vmul.f32 v15, v3;
	[tilespmem:s26+$0x10700] =	vst v32;
	v32 =	vmul.f32 $3.162277640e-01, v40  }
0x113: {  	v40 =	vmul.f32 v28, v21;
	[tilespmem:s26+$0x10600] =	vst v11;
	v11 =	vmul.f32 v15, v20  }
0x114: {  	v41 =	vadd.f32 v37, v13;
	v15 =	vmul.f32 v9, v3;
	[tilespmem:s30+$0x10400] =	vst v35;
	v35 =	vmul.f32 v19, v21  }
0x115: {  	v44 =	vmul.f32 v0, v12;
	[tilespmem:s26+$0x11800] =	vst v22;
	v22 =	vmul.f32 v10, v18;
	v45 =	vsub.f32 v11, v33  }
0x116: {  	v46 =	vmul.f32 v23, v20;
	v47 =	vmul.f32 v28, v20;
	[tilespmem:s26+$0x11980] =	vst v24;
	v24 =	vadd.f32 v15, v30  }
0x117: {  	v48 =	vmul.f32 $3.162277640e-01, v16;
	v26 =	vmul.f32 $7.745966910e-01, v26;
	v37 =	vsub.f32 v11, v37;
	[tilespmem:s26+$0x12F00] =	vst v44  }
0x118: {  	v15 =	vsub.f32 v15, v22;
	v11 =	vmul.f32 $4.082483050e-01, v24;
	[tilespmem:s26+$0x12C80] =	vst v25;
	v24 =	vmul.f32 v28, v18  }
0x119: {  	v16 =	vmul.f32 $8.164966110e-01, v22;
	v22 =	vmul.f32 v10, v36;
	v25 =	vadd.f32 v37, v33;
	[tilespmem:s26+$0x12F80] =	vst v31  }
0x11a: {  	v15 =	vadd.f32 v15, v30;
	v30 =	vmul.f32 v23, v36;
	v31 =	vmul.f32 v28, v36  }
0x11b: {  	v33 =	vmul.f32 v10, v21;
	v23 =	vmul.f32 v23, v18;
	v21 =	vsub.f32 v25, v13  }
0x11c: {  	v13 =	vmul.f32 $5.477225780e-01, v22;
	v10 =	vadd.f32 v40, v30;
	v22 =	vmul.f32 $6.546536680e-01, v31  }
0x11d: {  	v25 =	vmul.f32 v1, v18;
	v30 =	vmul.f32 v19, v18;
	v21 =	vadd.f32 v21, v42  }
0x11e: {  	v28 =	vmul.f32 v28, v3;
	v31 =	vmul.f32 v19, v14;
	v14 =	vadd.f32 v47, v43  }
0x11f: {  	v37 =	vmul.f32 v9, v12;
	v25 =	vadd.f32 v39, v25;
	v21 =	vmul.f32 $4.472135900e-01, v21  }
0x120: {  	v40 =	vadd.f32 v45, v42;
	v39 =	vmul.f32 v1, v36;
	v14 =	vmul.f32 $6.546536680e-01, v14  }
0x121: {  	v28 =	vadd.f32 v28, v31;
	v31 =	vmul.f32 $5.345224740e-01, v38;
	v25 =	vmul.f32 $7.071067690e-01, v25;
	[tilespmem:s26+$0x14280] =	vst v21  }
0x122: {  	v36 =	vmul.f32 v0, v36;
	v38 =	vmul.f32 v0, v20;
	v21 =	vadd.f32 v34, v35  }
0x123: {  	v33 =	vmul.f32 $6.324555270e-01, v33;
	[tilespmem:s26+$0x11B00] =	vst v25;
	v25 =	vmul.f32 $5.477225780e-01, v30;
	v30 =	vadd.f32 v37, v39  }
0x124: {  	v23 =	vmul.f32 $6.324555270e-01, v23;
	v28 =	vmul.f32 $5.477225780e-01, v28;
	v22 =	vsub.f32 v31, v22;
	[tilespmem:s26+$0x12E80] =	vst v38  }
0x125: {  	v31 =	vmul.f32 v19, v2;
	v25 =	vsub.f32 v48, v25;
	[tilespmem:s26+$0x14000] =	vst v36;
	v30 =	vmul.f32 $5.477225780e-01, v30  }
0x126: {  	v23 =	vsub.f32 v28, v23;
	v28 =	vmul.f32 $5.345224740e-01, v40;
	v34 =	vmul.f32 $2.672612370e-01, v41;
	[tilespmem:s26+$0x15500] =	vst v22  }
.Ltmp7:
0x127: {  	v24 =	vmul.f32 $5.477225780e-01, v24;
	v22 =	vadd.f32 v25, v26;
	v25 =	vmul.f32 $7.745966910e-01, v29;
	(pc) =	sbr.rel @p0 .LBB2_8-.Ltmp7, $4  }
0x128: {  	v12 =	vmul.f32 v19, v12;
	v17 =	vadd.f32 v17, v31;
	v19 =	vadd.f32 v28, v34;
	[tilespmem:s26+$0x12D80] =	vst v23  }
0x129: {  	v20 =	vmul.f32 v9, v20;
	v23 =	vsub.f32 v30, v33;
	[tilespmem:s26+$0x12D00] =	vst v22;
	v22 =	vsub.f32 v25, v24  }
0x12a: {  	v12 =	vmul.f32 $6.546536680e-01, v12;
	v9 =	vadd.f32 v46, v27;
	v17 =	vmul.f32 $6.546536680e-01, v17;
	[tilespmem:s26+$0x15400] =	vst v19  }
0x12b: {  	s28 =	sadd.s32 $0x80, s28;
	s31 =	smov.u32 s29;
	v20 =	vmul.f32 $7.745966910e-01, v20;
	v19 =	vmul.f32 v0, v18;
	v18 =	vadd.f32 v22, v32;
	[tilespmem:s26+$0x14180] =	vst v23  }
0x12c: {  	_ = 	snop  }
0x12d: {  	v15 =	vmul.f32 $5.773502590e-01, v15;
	[tilespmem:s26+$0x11900] =	vst v19  }
0x12e: {  	v11 =	vadd.f32 v11, v16;
	[tilespmem:s26+$0x12E00] =	vst v18  }
0x12f: {  	v8 =	vmul.f32 $7.071067690e-01, v8;
	[tilespmem:s26+$0x11A00] =	vst v15  }
0x130: {  	v56 =	vmul.f32 v0, v3;
	[tilespmem:s26+$0x11B80] =	vst v11  }
0x131: {  	v57 =	vmul.f32 $2.672612370e-01, v21;
	v58 =	vmul.f32 v0, v2;
	[tilespmem:s26+$0x12C00] =	vst v8  }
0x132: {  	v59 =	vmul.f32 $5.345224740e-01, v9;
	v1 =	vmul.f32 v1, v3;
	[tilespmem:s26+$0x11880] =	vst v56  }
0x133: {  	v6 =	vmul.f32 $3.162277640e-01, v6;
	v60 =	vmul.f32 $2.672612370e-01, v10;
	v61 =	vsub.f32 v14, v57;
	[tilespmem:s26+$0x14080] =	vst v58  }
0x134: {  	v7 =	vmul.f32 $3.162277640e-01, v7;
	v5 =	vsub.f32 v20, v5;
	v62 =	vsub.f32 v59, v12;
	[tilespmem:s26+$0x11A80] =	vst v1  }
0x135: {  	v4 =	vmul.f32 $7.745966910e-01, v4;
	v6 =	vsub.f32 v6, v13;
	v63 =	vsub.f32 v17, v60;
	[tilespmem:s26+$0x14380] =	vst v61  }
.Ltmp8:
0x136: {  	v5 =	vadd.f32 v5, v7;
	[tilespmem:s26+$0x14300] =	vst v62;
	(pc) =	sbr.rel .LBB2_10-.Ltmp8, $4  }
0x137: {  	s0 =	smul.u32 $0x280, s25;
	v4 =	vadd.f32 v6, v4;
	[tilespmem:s26+$0x15480] =	vst v63  }
0x138: {  	[tilespmem:s26+$0x14100] =	vst v5  }
0x139: {  	s0 =	sadd.s32 s4, s0;
	[tilespmem:s26+$0x14200] =	vst v4  }
0x13a: {  	[hbm4b:s0+s12] =	stream.strided.scatter [tilespmem:s20], [sflag:$0x6], $0x6400, s13, s12, $0x38;
	[tilespmem:$0x16800] =	vst v63  }
.LBB2_12:
0x13b: {  	_ =	sfence.sel $0x180000  }
0x13c: {  	[bflag:$0x0] =	sbarrier.arrive $0xFFFF  }
0x13d: {  	_ =	strace $0x90000047  }
0x13e: {  	s0 =	stileid.u32;
	[bflag:$0x2] =	sbarrier.arrive $0xFFFF  }
0x13f: {  	p0 =	sne.s32 s0, $0x0;
	s0 =	rddreg [dreg:$0x3]  }
0x140: {  	s0 =	sadd.s32 @!p0 $0x100000, s0  }
0x141: {  	[sflag:s0] =	ssyncadd.tile.s32 @!p0 $0x1;
	_ =	shalt  }
.Lfunc_end2:
_tile_overlayer_lowered:
.L_overlay_start_2:
0x142: {  	(tag) =	ssettag $0x2  }
0x143: {  	s0 =	rddreg [dreg:$0x0];
	s2 =	stileid.u32  }
0x144: {  	s1 =	rddreg [dreg:$0x1];
	p0 =	sne.s32 s2, $0x0  }
0x145: {  	s3 =	rddreg [dreg:$0x2];
	[bflag:$0x3] =	sbarrier.arrive $0xFFFF;
	s2 =	simm.s32 @!p0 $0x1C07  }
0x146: {  	[timem:s3], [sflag:s2] =	dma.local @!p0 [hbm:s0], s1  }
0x147: {  	s0 =	simm.s32 @!p0 $0x7  }
0x148: {  	_ =	swait.ge @!p0 [sflag:s0], s1  }
0x149: {  	s1 =	ssub.s32 @!p0 $0x0, s1;
	[sflag:s0] =	ssyncset.done @!p0 $0x0  }
0x14a: {  	[sflag:s0] =	ssyncadd.s32 @!p0 s1  }
0x14b: {  	[bflag:$0x3] =	sbarrier.arrive $0xFFFF  }
0x14c: {  	_ =	shalt  }

</sc_bundles>
